<compile_context>
chip_gen: v7x
topology: tpu7x:2x2x1
jax: 0.10.2.dev20260603
libtpu: 0.0.44.dev20260713+nightly
codegen_flags: <defaults>
</compile_context>

<pallas_src>
import functools

import jax
import jax.numpy as jnp
from jax import lax
from jax.experimental import pallas as pl
from jax.experimental.pallas import tpu as pltpu
from jax.experimental.pallas import tpu_sc as plsc

HIDDEN_DIM = 768
N_EXPERTS = 8
N_TOKENS = 32768

TILE = 4096

NUM_CORES = 2
NUM_SUBCORES = 16
NUM_WORKERS = NUM_CORES * NUM_SUBCORES
LANES = 16
LANE = 128

N_BLOCKS = N_TOKENS // LANE
TOK_PER_W = N_TOKENS // NUM_WORKERS
BLK_W = N_BLOCKS // NUM_WORKERS
GRP_PER_BLK = LANE // LANES




def _gate_body(hs_ref, w_ref, out_ref):
    logits = lax.dot_general(
        w_ref[...], hs_ref[...],
        dimension_numbers=(((1,), (1,)), ((), ())),
        preferred_element_type=jnp.float32,
    )
    for t in range(TILE // LANE):
        out_ref[t] = logits[:, t * LANE:(t + 1) * LANE]


_gate = pl.pallas_call(
    _gate_body,
    grid=(N_TOKENS // TILE,),
    in_specs=[
        pl.BlockSpec((TILE, HIDDEN_DIM), lambda i: (i, 0)),
        pl.BlockSpec((N_EXPERTS, HIDDEN_DIM), lambda i: (0, 0)),
    ],
    out_specs=pl.BlockSpec(
        (TILE // LANE, N_EXPERTS, LANE), lambda i: (i, 0, 0)),
    out_shape=jax.ShapeDtypeStruct(
        (N_BLOCKS, N_EXPERTS, LANE), jnp.float32),
)



_sc_mesh = plsc.VectorSubcoreMesh(
    core_axis_name="c", subcore_axis_name="s",
    num_cores=NUM_CORES, num_subcores=NUM_SUBCORES,
)


@functools.partial(
    pl.kernel,
    out_type=[
        jax.ShapeDtypeStruct((N_TOKENS,), jnp.float32),
        jax.ShapeDtypeStruct((N_TOKENS,), jnp.float32),
        jax.ShapeDtypeStruct((N_TOKENS,), jnp.int32),
        jax.ShapeDtypeStruct((N_TOKENS,), jnp.int32),
    ],
    mesh=_sc_mesh,
    compiler_params=pltpu.CompilerParams(needs_layout_passes=False),
    scratch_types=[
        pltpu.VMEM((BLK_W, N_EXPERTS, LANE), jnp.float32),
        pltpu.VMEM((LANES,), jnp.float32),
        pltpu.VMEM((TOK_PER_W,), jnp.float32),
        pltpu.VMEM((TOK_PER_W,), jnp.float32),
        pltpu.VMEM((TOK_PER_W,), jnp.int32),
        pltpu.VMEM((TOK_PER_W,), jnp.int32),
        pltpu.SemaphoreType.DMA,
    ],
)
def _router(logits_hbm, b_hbm, w1_hbm, w2_hbm, i1_hbm, i2_hbm,
            lbuf, bbuf, w1v, w2v, i1v, i2v, sem):
    wid = lax.axis_index("s") * NUM_CORES + lax.axis_index("c")
    base = wid * TOK_PER_W

    pltpu.sync_copy(b_hbm, bbuf.at[pl.ds(0, N_EXPERTS)])
    pltpu.async_copy(
        logits_hbm.at[pl.ds(wid * BLK_W, BLK_W)], lbuf, sem,
    ).wait()

    ball = bbuf[...]
    bvec = [jnp.full((LANES,), ball[e]) for e in range(N_EXPERTS)]

    def body(t, _):
        b = t // GRP_PER_BLK
        tb = (t % GRP_PER_BLK) * LANES

        m1 = lbuf[b, 0, pl.ds(tb, LANES)] + bvec[0]
        i1 = jnp.zeros((LANES,), jnp.int32)
        m2 = jnp.full((LANES,), -jnp.inf, jnp.float32)
        i2 = jnp.zeros((LANES,), jnp.int32)
        for e in range(1, N_EXPERTS):
            v = lbuf[b, e, pl.ds(tb, LANES)] + bvec[e]
            evec = jnp.full((LANES,), e, jnp.int32)
            gt1 = v > m1
            gt2 = v > m2
            i2 = jnp.where(gt1, i1, jnp.where(gt2, evec, i2))
            m2 = jnp.where(gt1, m1, jnp.where(gt2, v, m2))
            i1 = jnp.where(gt1, evec, i1)
            m1 = jnp.where(gt1, v, m1)

        ex = jnp.exp(m2 - m1)
        r = 1.0 / (1.0 + ex)
        w1v[pl.ds(t * LANES, LANES)] = r
        w2v[pl.ds(t * LANES, LANES)] = ex * r
        i1v[pl.ds(t * LANES, LANES)] = i1
        i2v[pl.ds(t * LANES, LANES)] = i2
        return 0

    lax.fori_loop(0, BLK_W * GRP_PER_BLK, body, 0)

    pltpu.sync_copy(w1v, w1_hbm.at[pl.ds(base, TOK_PER_W)])
    pltpu.sync_copy(w2v, w2_hbm.at[pl.ds(base, TOK_PER_W)])
    pltpu.sync_copy(i1v, i1_hbm.at[pl.ds(base, TOK_PER_W)])
    pltpu.sync_copy(i2v, i2_hbm.at[pl.ds(base, TOK_PER_W)])


def kernel(hidden_states, gate_w, gate_b):
    logits3d = _gate(hidden_states, gate_w)
    w1, w2, i1, i2 = _router(logits3d, gate_b)
    weights = jnp.stack([w1, w2], axis=1)
    topk_idx = jnp.stack([i1, i2], axis=1)
    return (weights, topk_idx)

# --- scband reference (transcript-rebuilt; emitter-appended) ---
"""Pipeline reference for scband-softmax-router-88089779241157 (READ-ONLY COPY).

The authoritative reference and input builder live on the scoring server;
editing this copy changes nothing except your own understanding.
"""

import jax, jax.numpy as jnp
import numpy as np

HIDDEN_DIM = 768
N_EXPERTS = 8
TOP_K = 2
N_TOKENS = 32768


def setup_inputs(seed: int = 0) -> dict:
    key = jax.random.key(seed)
    k1, k2, k3 = jax.random.split(key, 3)
    hidden_states = jax.random.normal(k1, (N_TOKENS, HIDDEN_DIM), dtype=jnp.float32)
    # nn.Linear(hidden_dim, n_experts): weight [n_experts, hidden_dim], bias [n_experts]
    gate_w = jax.random.normal(k2, (N_EXPERTS, HIDDEN_DIM), dtype=jnp.float32) * (1.0 / np.sqrt(HIDDEN_DIM))
    gate_b = jax.random.normal(k3, (N_EXPERTS,), dtype=jnp.float32) * 0.01
    return {"hidden_states": hidden_states, "gate_w": gate_w, "gate_b": gate_b}


def reference(hidden_states, gate_w, gate_b):
    # logits = self.gate(hidden_states)
    logits = hidden_states @ gate_w.T + gate_b
    # topk_vals, topk_idx = logits.topk(self.top_k, dim=-1)
    topk_vals, topk_idx = jax.lax.top_k(logits, TOP_K)
    # weights = F.softmax(topk_vals, dim=-1)
    weights = jax.nn.softmax(topk_vals, axis=-1)
    return (weights, topk_idx)

if __name__ == "__main__":
    import jax
    _d = setup_inputs()
    print(jax.jit(kernel)(*tuple(_d.values())))

</pallas_src>

<mosaic_0001>
#map = affine_map<(d0, d1) -> (0, 0, 0)>
#map1 = affine_map<(d0, d1) -> (0)>
module attributes {stable_mosaic.version = 14 : i64} {
  func.func @_router(%arg0: i32, %arg1: i32, %arg2: memref<256x8x128xf32, #tpu.memory_space<hbm>>, %arg3: memref<8xf32, #tpu.memory_space<hbm>>, %arg4: memref<32768xf32, #tpu.memory_space<hbm>>, %arg5: memref<32768xf32, #tpu.memory_space<hbm>>, %arg6: memref<32768xi32, #tpu.memory_space<hbm>>, %arg7: memref<32768xi32, #tpu.memory_space<hbm>>, %arg8: memref<8x8x128xf32, #tpu.memory_space<vmem>>, %arg9: memref<16xf32, #tpu.memory_space<vmem>>, %arg10: memref<1024xf32, #tpu.memory_space<vmem>>, %arg11: memref<1024xf32, #tpu.memory_space<vmem>>, %arg12: memref<1024xi32, #tpu.memory_space<vmem>>, %arg13: memref<1024xi32, #tpu.memory_space<vmem>>, %arg14: memref<!tpu.dma_semaphore, #tpu.memory_space<semaphore_mem>>) attributes {dimension_semantics = [#tpu.dimension_semantics<core_parallel>, #tpu.dimension_semantics<subcore_parallel>], iteration_bounds = array<i64: 2, 16>, scalar_prefetch = 0 : i64, scratch_operands = 7 : i64, tpu.core_type = #tpu.core_type<sc_vector_subcore>, window_params = [{transform_indices = #map}, {transform_indices = #map1}, {transform_indices = #map1}, {transform_indices = #map1}, {transform_indices = #map1}, {transform_indices = #map1}]} {
    %mul3A = arith.constant 2 : i32
    %mul3A_0 = arith.muli %arg1, %mul3A : i32
    %add3A = arith.addi %mul3A_0, %arg0 : i32
    %mul3A_1 = arith.constant 1024 : i32
    %mul3A_2 = arith.muli %add3A, %mul3A_1 : i32
    "tpu.region"() ({
      %run_scoped3A = tpu.sem_alloc : memref<!tpu.dma_semaphore, #tpu.memory_space<semaphore_mem>>
      %dma_start3A_43 = arith.constant 0 : i32
      %dma_start3A_44 = tpu.memref_slice %arg9[%dma_start3A_43] : memref<16xf32, #tpu.memory_space<vmem>> -> memref<8xf32, #tpu.memory_space<vmem>>
      %dma_start3A_45 = arith.constant 0 : i32
      %dma_start3A_46 = tpu.memref_slice %arg9[%dma_start3A_45] : memref<16xf32, #tpu.memory_space<vmem>> -> memref<8xf32, #tpu.memory_space<vmem>>
      tpu.enqueue_dma source(%arg3 : memref<8xf32, #tpu.memory_space<hbm>>) target(%dma_start3A_46 : memref<8xf32, #tpu.memory_space<vmem>>) target_semaphore(%run_scoped3A : memref<!tpu.dma_semaphore, #tpu.memory_space<semaphore_mem>>)
      %dma_wait3A_47 = arith.constant 0 : i32
      %dma_wait3A_48 = tpu.memref_slice %arg9[%dma_wait3A_47] : memref<16xf32, #tpu.memory_space<vmem>> -> memref<8xf32, #tpu.memory_space<vmem>>
      %dma_wait3A_49 = arith.constant 0 : i32
      %dma_wait3A_50 = tpu.memref_slice %arg9[%dma_wait3A_49] : memref<16xf32, #tpu.memory_space<vmem>> -> memref<8xf32, #tpu.memory_space<vmem>>
      tpu.wait_dma2 semaphore(%run_scoped3A : memref<!tpu.dma_semaphore, #tpu.memory_space<semaphore_mem>>) src(%arg3 : memref<8xf32, #tpu.memory_space<hbm>>) dst(%dma_wait3A_50 : memref<8xf32, #tpu.memory_space<vmem>>)
      tpu.yield
    }) : () -> ()
    %mul3A_3 = arith.constant 8 : i32
    %mul3A_4 = arith.muli %add3A, %mul3A_3 : i32
    %dma_start3A = arith.constant 0 : i32
    %dma_start3A_5 = arith.constant 0 : i32
    %dma_start3A_6 = tpu.memref_slice %arg2[%mul3A_4, %dma_start3A, %dma_start3A_5] : memref<256x8x128xf32, #tpu.memory_space<hbm>> -> memref<8x8x128xf32, #tpu.memory_space<hbm>>
    %dma_start3A_7 = arith.constant 0 : i32
    %dma_start3A_8 = arith.constant 0 : i32
    %dma_start3A_9 = tpu.memref_slice %arg2[%mul3A_4, %dma_start3A_7, %dma_start3A_8] : memref<256x8x128xf32, #tpu.memory_space<hbm>> -> memref<8x8x128xf32, #tpu.memory_space<hbm>>
    tpu.enqueue_dma source(%dma_start3A_9 : memref<8x8x128xf32, #tpu.memory_space<hbm>>) target(%arg8 : memref<8x8x128xf32, #tpu.memory_space<vmem>>) target_semaphore(%arg14 : memref<!tpu.dma_semaphore, #tpu.memory_space<semaphore_mem>>)
    %dma_wait3A = arith.constant 0 : i32
    %dma_wait3A_10 = arith.constant 0 : i32
    %dma_wait3A_11 = tpu.memref_slice %arg2[%mul3A_4, %dma_wait3A, %dma_wait3A_10] : memref<256x8x128xf32, #tpu.memory_space<hbm>> -> memref<8x8x128xf32, #tpu.memory_space<hbm>>
    %dma_wait3A_12 = arith.constant 0 : i32
    %dma_wait3A_13 = arith.constant 0 : i32
    %dma_wait3A_14 = tpu.memref_slice %arg2[%mul3A_4, %dma_wait3A_12, %dma_wait3A_13] : memref<256x8x128xf32, #tpu.memory_space<hbm>> -> memref<8x8x128xf32, #tpu.memory_space<hbm>>
    tpu.wait_dma2 semaphore(%arg14 : memref<!tpu.dma_semaphore, #tpu.memory_space<semaphore_mem>>) src(%dma_wait3A_14 : memref<8x8x128xf32, #tpu.memory_space<hbm>>) dst(%arg8 : memref<8x8x128xf32, #tpu.memory_space<vmem>>)
    %get3A = arith.constant 0 : index
    %get3A_15 = tpu.vector_load %arg9[%get3A] {strides = array<i32>} : memref<16xf32, #tpu.memory_space<vmem>>, vector<16xf32>,
    %slice3A = vector.extract_strided_slice %get3A_15 {offsets = [0], sizes = [1], strides = [1]} : vector<16xf32> to vector<1xf32>
    %squeeze3A = vector.extract %slice3A[0] : f32 from vector<1xf32>
    %broadcast_in_dim3A = vector.broadcast %squeeze3A : f32 to vector<16xf32>
    %slice3A_16 = vector.extract_strided_slice %get3A_15 {offsets = [1], sizes = [1], strides = [1]} : vector<16xf32> to vector<1xf32>
    %squeeze3A_17 = vector.extract %slice3A_16[0] : f32 from vector<1xf32>
    %broadcast_in_dim3A_18 = vector.broadcast %squeeze3A_17 : f32 to vector<16xf32>
    %slice3A_19 = vector.extract_strided_slice %get3A_15 {offsets = [2], sizes = [1], strides = [1]} : vector<16xf32> to vector<1xf32>
    %squeeze3A_20 = vector.extract %slice3A_19[0] : f32 from vector<1xf32>
    %broadcast_in_dim3A_21 = vector.broadcast %squeeze3A_20 : f32 to vector<16xf32>
    %slice3A_22 = vector.extract_strided_slice %get3A_15 {offsets = [3], sizes = [1], strides = [1]} : vector<16xf32> to vector<1xf32>
    %squeeze3A_23 = vector.extract %slice3A_22[0] : f32 from vector<1xf32>
    %broadcast_in_dim3A_24 = vector.broadcast %squeeze3A_23 : f32 to vector<16xf32>
    %slice3A_25 = vector.extract_strided_slice %get3A_15 {offsets = [4], sizes = [1], strides = [1]} : vector<16xf32> to vector<1xf32>
    %squeeze3A_26 = vector.extract %slice3A_25[0] : f32 from vector<1xf32>
    %broadcast_in_dim3A_27 = vector.broadcast %squeeze3A_26 : f32 to vector<16xf32>
    %slice3A_28 = vector.extract_strided_slice %get3A_15 {offsets = [5], sizes = [1], strides = [1]} : vector<16xf32> to vector<1xf32>
    %squeeze3A_29 = vector.extract %slice3A_28[0] : f32 from vector<1xf32>
    %broadcast_in_dim3A_30 = vector.broadcast %squeeze3A_29 : f32 to vector<16xf32>
    %slice3A_31 = vector.extract_strided_slice %get3A_15 {offsets = [6], sizes = [1], strides = [1]} : vector<16xf32> to vector<1xf32>
    %squeeze3A_32 = vector.extract %slice3A_31[0] : f32 from vector<1xf32>
    %broadcast_in_dim3A_33 = vector.broadcast %squeeze3A_32 : f32 to vector<16xf32>
    %slice3A_34 = vector.extract_strided_slice %get3A_15 {offsets = [7], sizes = [1], strides = [1]} : vector<16xf32> to vector<1xf32>
    %squeeze3A_35 = vector.extract %slice3A_34[0] : f32 from vector<1xf32>
    %broadcast_in_dim3A_36 = vector.broadcast %squeeze3A_35 : f32 to vector<16xf32>
    %scan3A = arith.constant 0 : i32
    %scan3A_37 = arith.constant 0 : i32
    %scan3A_38 = arith.constant 64 : i32
    %scan3A_39 = arith.addi %scan3A_37, %scan3A_38 : i32
    %scan3A_40 = arith.constant 1 : i32
    %scan3A_41 = scf.for %scan3A_43 = %scan3A_37 to %scan3A_39 step %scan3A_40 iter_args(%scan3A_44 = %scan3A) -> (i32)  : i32 {
      %jit3A = arith.constant 8 : i32
      %div3A = arith.divsi %scan3A_43, %jit3A : i32
      %sign3A = arith.constant 0 : i32
      %sign3A_45 = arith.cmpi sgt, %scan3A_43, %sign3A : i32
      %sign3A_46 = arith.extui %sign3A_45 : i1 to i32
      %sign3A_47 = arith.constant 0 : i32
      %sign3A_48 = arith.cmpi slt, %scan3A_43, %sign3A_47 : i32
      %sign3A_49 = arith.extui %sign3A_48 : i1 to i32
      %sign3A_50 = arith.subi %sign3A_46, %sign3A_49 : i32
      %sign3A_51 = arith.constant 0 : i32
      %sign3A_52 = arith.cmpi sgt, %jit3A, %sign3A_51 : i32
      %sign3A_53 = arith.extui %sign3A_52 : i1 to i32
      %sign3A_54 = arith.constant 0 : i32
      %sign3A_55 = arith.cmpi slt, %jit3A, %sign3A_54 : i32
      %sign3A_56 = arith.extui %sign3A_55 : i1 to i32
      %sign3A_57 = arith.subi %sign3A_53, %sign3A_56 : i32
      %ne3A = arith.cmpi ne, %sign3A_50, %sign3A_57 : i32
      %rem3A = arith.remsi %scan3A_43, %jit3A : i32
      %ne3A_58 = arith.constant 0 : i32
      %ne3A_59 = arith.cmpi ne, %rem3A, %ne3A_58 : i32
      %and3A = arith.andi %ne3A, %ne3A_59 : i1
      %sub3A = arith.constant 1 : i32
      %sub3A_60 = arith.subi %div3A, %sub3A : i32
      %select_n3A = arith.select %and3A, %sub3A_60, %div3A : i32
      %jit3A_61 = arith.constant 8 : i32
      %eq3A = arith.constant 0 : i32
      %eq3A_62 = arith.cmpi eq, %jit3A_61, %eq3A : i32
      %jit3A_63 = arith.constant 1 : i32
      %select_n3A_64 = arith.select %eq3A_62, %jit3A_63, %jit3A_61 : i32
      %rem3A_65 = arith.remsi %scan3A_43, %select_n3A_64 : i32
      %ne3A_66 = arith.constant 0 : i32
      %ne3A_67 = arith.cmpi ne, %rem3A_65, %ne3A_66 : i32
      %lt3A = arith.constant 0 : i32
      %lt3A_68 = arith.cmpi slt, %rem3A_65, %lt3A : i32
      %lt3A_69 = arith.constant 0 : i32
      %lt3A_70 = arith.cmpi slt, %select_n3A_64, %lt3A_69 : i32
      %ne3A_71 = arith.xori %lt3A_68, %lt3A_70 : i1
      %and3A_72 = arith.andi %ne3A_71, %ne3A_67 : i1
      %add3A_73 = arith.addi %rem3A_65, %select_n3A_64 : i32
      %select_n3A_74 = arith.select %and3A_72, %add3A_73, %rem3A_65 : i32
      %mul3A_75 = arith.constant 16 : i32
      %mul3A_76 = arith.muli %select_n3A_74, %mul3A_75 : i32
      %get3A_77 = arith.constant 0 : i32
      %get3A_78 = arith.index_cast %select_n3A : i32 to index
      %get3A_79 = arith.index_cast %get3A_77 : i32 to index
      %get3A_80 = arith.index_cast %mul3A_76 : i32 to index
      %get3A_81 = tpu.vector_load %arg8[%get3A_78, %get3A_79, %get3A_80] {strides = array<i32>} : memref<8x8x128xf32, #tpu.memory_space<vmem>>, vector<16xf32>,
      %add3A_82 = arith.addf %get3A_81, %broadcast_in_dim3A : vector<16xf32>
      %broadcast_in_dim3A_83 = arith.constant 0 : i32
      %broadcast_in_dim3A_84 = vector.broadcast %broadcast_in_dim3A_83 : i32 to vector<16xi32>
      %broadcast_in_dim3A_85 = arith.constant 0xFF800000 : f32
      %broadcast_in_dim3A_86 = vector.broadcast %broadcast_in_dim3A_85 : f32 to vector<16xf32>
      %broadcast_in_dim3A_87 = arith.constant 0 : i32
      %broadcast_in_dim3A_88 = vector.broadcast %broadcast_in_dim3A_87 : i32 to vector<16xi32>
      %get3A_89 = arith.constant 1 : i32
      %get3A_90 = arith.index_cast %select_n3A : i32 to index
      %get3A_91 = arith.index_cast %get3A_89 : i32 to index
      %get3A_92 = arith.index_cast %mul3A_76 : i32 to index
      %get3A_93 = tpu.vector_load %arg8[%get3A_90, %get3A_91, %get3A_92] {strides = array<i32>} : memref<8x8x128xf32, #tpu.memory_space<vmem>>, vector<16xf32>,
      %add3A_94 = arith.addf %get3A_93, %broadcast_in_dim3A_18 : vector<16xf32>
      %broadcast_in_dim3A_95 = arith.constant 1 : i32
      %broadcast_in_dim3A_96 = vector.broadcast %broadcast_in_dim3A_95 : i32 to vector<16xi32>
      %gt3A = arith.cmpf ogt, %add3A_94, %add3A_82 : vector<16xf32>
      %gt3A_97 = arith.cmpf ogt, %add3A_94, %broadcast_in_dim3A_86 : vector<16xf32>
      %select_n3A_98 = arith.select %gt3A_97, %broadcast_in_dim3A_96, %broadcast_in_dim3A_88 : vector<16xi1>, vector<16xi32>
      %select_n3A_99 = arith.select %gt3A, %broadcast_in_dim3A_84, %select_n3A_98 : vector<16xi1>, vector<16xi32>
      %select_n3A_100 = arith.select %gt3A_97, %add3A_94, %broadcast_in_dim3A_86 : vector<16xi1>, vector<16xf32>
      %select_n3A_101 = arith.select %gt3A, %add3A_82, %select_n3A_100 : vector<16xi1>, vector<16xf32>
      %select_n3A_102 = arith.select %gt3A, %broadcast_in_dim3A_96, %broadcast_in_dim3A_84 : vector<16xi1>, vector<16xi32>
      %select_n3A_103 = arith.select %gt3A, %add3A_94, %add3A_82 : vector<16xi1>, vector<16xf32>
      %get3A_104 = arith.constant 2 : i32
      %get3A_105 = arith.index_cast %select_n3A : i32 to index
      %get3A_106 = arith.index_cast %get3A_104 : i32 to index
      %get3A_107 = arith.index_cast %mul3A_76 : i32 to index
      %get3A_108 = tpu.vector_load %arg8[%get3A_105, %get3A_106, %get3A_107] {strides = array<i32>} : memref<8x8x128xf32, #tpu.memory_space<vmem>>, vector<16xf32>,
      %add3A_109 = arith.addf %get3A_108, %broadcast_in_dim3A_21 : vector<16xf32>
      %broadcast_in_dim3A_110 = arith.constant 2 : i32
      %broadcast_in_dim3A_111 = vector.broadcast %broadcast_in_dim3A_110 : i32 to vector<16xi32>
      %gt3A_112 = arith.cmpf ogt, %add3A_109, %select_n3A_103 : vector<16xf32>
      %gt3A_113 = arith.cmpf ogt, %add3A_109, %select_n3A_101 : vector<16xf32>
      %select_n3A_114 = arith.select %gt3A_113, %broadcast_in_dim3A_111, %select_n3A_99 : vector<16xi1>, vector<16xi32>
      %select_n3A_115 = arith.select %gt3A_112, %select_n3A_102, %select_n3A_114 : vector<16xi1>, vector<16xi32>
      %select_n3A_116 = arith.select %gt3A_113, %add3A_109, %select_n3A_101 : vector<16xi1>, vector<16xf32>
      %select_n3A_117 = arith.select %gt3A_112, %select_n3A_103, %select_n3A_116 : vector<16xi1>, vector<16xf32>
      %select_n3A_118 = arith.select %gt3A_112, %broadcast_in_dim3A_111, %select_n3A_102 : vector<16xi1>, vector<16xi32>
      %select_n3A_119 = arith.select %gt3A_112, %add3A_109, %select_n3A_103 : vector<16xi1>, vector<16xf32>
      %get3A_120 = arith.constant 3 : i32
      %get3A_121 = arith.index_cast %select_n3A : i32 to index
      %get3A_122 = arith.index_cast %get3A_120 : i32 to index
      %get3A_123 = arith.index_cast %mul3A_76 : i32 to index
      %get3A_124 = tpu.vector_load %arg8[%get3A_121, %get3A_122, %get3A_123] {strides = array<i32>} : memref<8x8x128xf32, #tpu.memory_space<vmem>>, vector<16xf32>,
      %add3A_125 = arith.addf %get3A_124, %broadcast_in_dim3A_24 : vector<16xf32>
      %broadcast_in_dim3A_126 = arith.constant 3 : i32
      %broadcast_in_dim3A_127 = vector.broadcast %broadcast_in_dim3A_126 : i32 to vector<16xi32>
      %gt3A_128 = arith.cmpf ogt, %add3A_125, %select_n3A_119 : vector<16xf32>
      %gt3A_129 = arith.cmpf ogt, %add3A_125, %select_n3A_117 : vector<16xf32>
      %select_n3A_130 = arith.select %gt3A_129, %broadcast_in_dim3A_127, %select_n3A_115 : vector<16xi1>, vector<16xi32>
      %select_n3A_131 = arith.select %gt3A_128, %select_n3A_118, %select_n3A_130 : vector<16xi1>, vector<16xi32>
      %select_n3A_132 = arith.select %gt3A_129, %add3A_125, %select_n3A_117 : vector<16xi1>, vector<16xf32>
      %select_n3A_133 = arith.select %gt3A_128, %select_n3A_119, %select_n3A_132 : vector<16xi1>, vector<16xf32>
      %select_n3A_134 = arith.select %gt3A_128, %broadcast_in_dim3A_127, %select_n3A_118 : vector<16xi1>, vector<16xi32>
      %select_n3A_135 = arith.select %gt3A_128, %add3A_125, %select_n3A_119 : vector<16xi1>, vector<16xf32>
      %get3A_136 = arith.constant 4 : i32
      %get3A_137 = arith.index_cast %select_n3A : i32 to index
      %get3A_138 = arith.index_cast %get3A_136 : i32 to index
      %get3A_139 = arith.index_cast %mul3A_76 : i32 to index
      %get3A_140 = tpu.vector_load %arg8[%get3A_137, %get3A_138, %get3A_139] {strides = array<i32>} : memref<8x8x128xf32, #tpu.memory_space<vmem>>, vector<16xf32>,
      %add3A_141 = arith.addf %get3A_140, %broadcast_in_dim3A_27 : vector<16xf32>
      %broadcast_in_dim3A_142 = arith.constant 4 : i32
      %broadcast_in_dim3A_143 = vector.broadcast %broadcast_in_dim3A_142 : i32 to vector<16xi32>
      %gt3A_144 = arith.cmpf ogt, %add3A_141, %select_n3A_135 : vector<16xf32>
      %gt3A_145 = arith.cmpf ogt, %add3A_141, %select_n3A_133 : vector<16xf32>
      %select_n3A_146 = arith.select %gt3A_145, %broadcast_in_dim3A_143, %select_n3A_131 : vector<16xi1>, vector<16xi32>
      %select_n3A_147 = arith.select %gt3A_144, %select_n3A_134, %select_n3A_146 : vector<16xi1>, vector<16xi32>
      %select_n3A_148 = arith.select %gt3A_145, %add3A_141, %select_n3A_133 : vector<16xi1>, vector<16xf32>
      %select_n3A_149 = arith.select %gt3A_144, %select_n3A_135, %select_n3A_148 : vector<16xi1>, vector<16xf32>
      %select_n3A_150 = arith.select %gt3A_144, %broadcast_in_dim3A_143, %select_n3A_134 : vector<16xi1>, vector<16xi32>
      %select_n3A_151 = arith.select %gt3A_144, %add3A_141, %select_n3A_135 : vector<16xi1>, vector<16xf32>
      %get3A_152 = arith.constant 5 : i32
      %get3A_153 = arith.index_cast %select_n3A : i32 to index
      %get3A_154 = arith.index_cast %get3A_152 : i32 to index
      %get3A_155 = arith.index_cast %mul3A_76 : i32 to index
      %get3A_156 = tpu.vector_load %arg8[%get3A_153, %get3A_154, %get3A_155] {strides = array<i32>} : memref<8x8x128xf32, #tpu.memory_space<vmem>>, vector<16xf32>,
      %add3A_157 = arith.addf %get3A_156, %broadcast_in_dim3A_30 : vector<16xf32>
      %broadcast_in_dim3A_158 = arith.constant 5 : i32
      %broadcast_in_dim3A_159 = vector.broadcast %broadcast_in_dim3A_158 : i32 to vector<16xi32>
      %gt3A_160 = arith.cmpf ogt, %add3A_157, %select_n3A_151 : vector<16xf32>
      %gt3A_161 = arith.cmpf ogt, %add3A_157, %select_n3A_149 : vector<16xf32>
      %select_n3A_162 = arith.select %gt3A_161, %broadcast_in_dim3A_159, %select_n3A_147 : vector<16xi1>, vector<16xi32>
      %select_n3A_163 = arith.select %gt3A_160, %select_n3A_150, %select_n3A_162 : vector<16xi1>, vector<16xi32>
      %select_n3A_164 = arith.select %gt3A_161, %add3A_157, %select_n3A_149 : vector<16xi1>, vector<16xf32>
      %select_n3A_165 = arith.select %gt3A_160, %select_n3A_151, %select_n3A_164 : vector<16xi1>, vector<16xf32>
      %select_n3A_166 = arith.select %gt3A_160, %broadcast_in_dim3A_159, %select_n3A_150 : vector<16xi1>, vector<16xi32>
      %select_n3A_167 = arith.select %gt3A_160, %add3A_157, %select_n3A_151 : vector<16xi1>, vector<16xf32>
      %get3A_168 = arith.constant 6 : i32
      %get3A_169 = arith.index_cast %select_n3A : i32 to index
      %get3A_170 = arith.index_cast %get3A_168 : i32 to index
      %get3A_171 = arith.index_cast %mul3A_76 : i32 to index
      %get3A_172 = tpu.vector_load %arg8[%get3A_169, %get3A_170, %get3A_171] {strides = array<i32>} : memref<8x8x128xf32, #tpu.memory_space<vmem>>, vector<16xf32>,
      %add3A_173 = arith.addf %get3A_172, %broadcast_in_dim3A_33 : vector<16xf32>
      %broadcast_in_dim3A_174 = arith.constant 6 : i32
      %broadcast_in_dim3A_175 = vector.broadcast %broadcast_in_dim3A_174 : i32 to vector<16xi32>
      %gt3A_176 = arith.cmpf ogt, %add3A_173, %select_n3A_167 : vector<16xf32>
      %gt3A_177 = arith.cmpf ogt, %add3A_173, %select_n3A_165 : vector<16xf32>
      %select_n3A_178 = arith.select %gt3A_177, %broadcast_in_dim3A_175, %select_n3A_163 : vector<16xi1>, vector<16xi32>
      %select_n3A_179 = arith.select %gt3A_176, %select_n3A_166, %select_n3A_178 : vector<16xi1>, vector<16xi32>
      %select_n3A_180 = arith.select %gt3A_177, %add3A_173, %select_n3A_165 : vector<16xi1>, vector<16xf32>
      %select_n3A_181 = arith.select %gt3A_176, %select_n3A_167, %select_n3A_180 : vector<16xi1>, vector<16xf32>
      %select_n3A_182 = arith.select %gt3A_176, %broadcast_in_dim3A_175, %select_n3A_166 : vector<16xi1>, vector<16xi32>
      %select_n3A_183 = arith.select %gt3A_176, %add3A_173, %select_n3A_167 : vector<16xi1>, vector<16xf32>
      %get3A_184 = arith.constant 7 : i32
      %get3A_185 = arith.index_cast %select_n3A : i32 to index
      %get3A_186 = arith.index_cast %get3A_184 : i32 to index
      %get3A_187 = arith.index_cast %mul3A_76 : i32 to index
      %get3A_188 = tpu.vector_load %arg8[%get3A_185, %get3A_186, %get3A_187] {strides = array<i32>} : memref<8x8x128xf32, #tpu.memory_space<vmem>>, vector<16xf32>,
      %add3A_189 = arith.addf %get3A_188, %broadcast_in_dim3A_36 : vector<16xf32>
      %broadcast_in_dim3A_190 = arith.constant 7 : i32
      %broadcast_in_dim3A_191 = vector.broadcast %broadcast_in_dim3A_190 : i32 to vector<16xi32>
      %gt3A_192 = arith.cmpf ogt, %add3A_189, %select_n3A_183 : vector<16xf32>
      %gt3A_193 = arith.cmpf ogt, %add3A_189, %select_n3A_181 : vector<16xf32>
      %select_n3A_194 = arith.select %gt3A_193, %broadcast_in_dim3A_191, %select_n3A_179 : vector<16xi1>, vector<16xi32>
      %select_n3A_195 = arith.select %gt3A_192, %select_n3A_182, %select_n3A_194 : vector<16xi1>, vector<16xi32>
      %select_n3A_196 = arith.select %gt3A_193, %add3A_189, %select_n3A_181 : vector<16xi1>, vector<16xf32>
      %select_n3A_197 = arith.select %gt3A_192, %select_n3A_183, %select_n3A_196 : vector<16xi1>, vector<16xf32>
      %select_n3A_198 = arith.select %gt3A_192, %broadcast_in_dim3A_191, %select_n3A_182 : vector<16xi1>, vector<16xi32>
      %select_n3A_199 = arith.select %gt3A_192, %add3A_189, %select_n3A_183 : vector<16xi1>, vector<16xf32>
      %sub3A_200 = arith.subf %select_n3A_197, %select_n3A_199 : vector<16xf32>
      %exp3A = math.exp %sub3A_200 : vector<16xf32>
      %add3A_201 = arith.constant 1.000000e+00 : f32
      %add3A_202 = vector.broadcast %add3A_201 : f32 to vector<16xf32>
      %add3A_203 = arith.addf %add3A_202, %exp3A : vector<16xf32>
      %div3A_204 = arith.constant 1.000000e+00 : f32
      %div3A_205 = vector.broadcast %div3A_204 : f32 to vector<16xf32>
      %div3A_206 = arith.divf %div3A_205, %add3A_203 : vector<16xf32>
      %mul3A_207 = arith.constant 16 : i32
      %mul3A_208 = arith.muli %scan3A_43, %mul3A_207 : i32
      %swap3A = arith.index_cast %mul3A_208 : i32 to index
      %swap3A_209 = tpu.vector_load %arg10[%swap3A] {strides = array<i32>} : memref<1024xf32, #tpu.memory_space<vmem>>, vector<16xf32>,
      tpu.vector_store %arg10[%swap3A], %div3A_206 {strides = array<i32>} : memref<1024xf32, #tpu.memory_space<vmem>>, vector<16xf32>,
      %mul3A_210 = arith.mulf %exp3A, %div3A_206 : vector<16xf32>
      %mul3A_211 = arith.constant 16 : i32
      %mul3A_212 = arith.muli %scan3A_43, %mul3A_211 : i32
      %swap3A_213 = arith.index_cast %mul3A_212 : i32 to index
      %swap3A_214 = tpu.vector_load %arg11[%swap3A_213] {strides = array<i32>} : memref<1024xf32, #tpu.memory_space<vmem>>, vector<16xf32>,
      tpu.vector_store %arg11[%swap3A_213], %mul3A_210 {strides = array<i32>} : memref<1024xf32, #tpu.memory_space<vmem>>, vector<16xf32>,
      %mul3A_215 = arith.constant 16 : i32
      %mul3A_216 = arith.muli %scan3A_43, %mul3A_215 : i32
      %swap3A_217 = arith.index_cast %mul3A_216 : i32 to index
      %swap3A_218 = tpu.vector_load %arg12[%swap3A_217] {strides = array<i32>} : memref<1024xi32, #tpu.memory_space<vmem>>, vector<16xi32>,
      tpu.vector_store %arg12[%swap3A_217], %select_n3A_198 {strides = array<i32>} : memref<1024xi32, #tpu.memory_space<vmem>>, vector<16xi32>,
      %mul3A_219 = arith.constant 16 : i32
      %mul3A_220 = arith.muli %scan3A_43, %mul3A_219 : i32
      %swap3A_221 = arith.index_cast %mul3A_220 : i32 to index
      %swap3A_222 = tpu.vector_load %arg13[%swap3A_221] {strides = array<i32>} : memref<1024xi32, #tpu.memory_space<vmem>>, vector<16xi32>,
      tpu.vector_store %arg13[%swap3A_221], %select_n3A_195 {strides = array<i32>} : memref<1024xi32, #tpu.memory_space<vmem>>, vector<16xi32>,
      %scan3A_223 = arith.constant 0 : i32
      scf.yield %scan3A_223 : i32
    }
    %scan3A_42 = arith.constant 64 : i32
    "tpu.region"() ({
      %run_scoped3A = tpu.sem_alloc : memref<!tpu.dma_semaphore, #tpu.memory_space<semaphore_mem>>
      %dma_start3A_43 = tpu.memref_slice %arg4[%mul3A_2] : memref<32768xf32, #tpu.memory_space<hbm>> -> memref<1024xf32, #tpu.memory_space<hbm>>
      %dma_start3A_44 = tpu.memref_slice %arg4[%mul3A_2] : memref<32768xf32, #tpu.memory_space<hbm>> -> memref<1024xf32, #tpu.memory_space<hbm>>
      tpu.enqueue_dma source(%arg10 : memref<1024xf32, #tpu.memory_space<vmem>>) target(%dma_start3A_44 : memref<1024xf32, #tpu.memory_space<hbm>>) target_semaphore(%run_scoped3A : memref<!tpu.dma_semaphore, #tpu.memory_space<semaphore_mem>>)
      %dma_wait3A_45 = tpu.memref_slice %arg4[%mul3A_2] : memref<32768xf32, #tpu.memory_space<hbm>> -> memref<1024xf32, #tpu.memory_space<hbm>>
      %dma_wait3A_46 = tpu.memref_slice %arg4[%mul3A_2] : memref<32768xf32, #tpu.memory_space<hbm>> -> memref<1024xf32, #tpu.memory_space<hbm>>
      tpu.wait_dma2 semaphore(%run_scoped3A : memref<!tpu.dma_semaphore, #tpu.memory_space<semaphore_mem>>) src(%arg10 : memref<1024xf32, #tpu.memory_space<vmem>>) dst(%dma_wait3A_46 : memref<1024xf32, #tpu.memory_space<hbm>>)
      tpu.yield
    }) : () -> ()
    "tpu.region"() ({
      %run_scoped3A = tpu.sem_alloc : memref<!tpu.dma_semaphore, #tpu.memory_space<semaphore_mem>>
      %dma_start3A_43 = tpu.memref_slice %arg5[%mul3A_2] : memref<32768xf32, #tpu.memory_space<hbm>> -> memref<1024xf32, #tpu.memory_space<hbm>>
      %dma_start3A_44 = tpu.memref_slice %arg5[%mul3A_2] : memref<32768xf32, #tpu.memory_space<hbm>> -> memref<1024xf32, #tpu.memory_space<hbm>>
      tpu.enqueue_dma source(%arg11 : memref<1024xf32, #tpu.memory_space<vmem>>) target(%dma_start3A_44 : memref<1024xf32, #tpu.memory_space<hbm>>) target_semaphore(%run_scoped3A : memref<!tpu.dma_semaphore, #tpu.memory_space<semaphore_mem>>)
      %dma_wait3A_45 = tpu.memref_slice %arg5[%mul3A_2] : memref<32768xf32, #tpu.memory_space<hbm>> -> memref<1024xf32, #tpu.memory_space<hbm>>
      %dma_wait3A_46 = tpu.memref_slice %arg5[%mul3A_2] : memref<32768xf32, #tpu.memory_space<hbm>> -> memref<1024xf32, #tpu.memory_space<hbm>>
      tpu.wait_dma2 semaphore(%run_scoped3A : memref<!tpu.dma_semaphore, #tpu.memory_space<semaphore_mem>>) src(%arg11 : memref<1024xf32, #tpu.memory_space<vmem>>) dst(%dma_wait3A_46 : memref<1024xf32, #tpu.memory_space<hbm>>)
      tpu.yield
    }) : () -> ()
    "tpu.region"() ({
      %run_scoped3A = tpu.sem_alloc : memref<!tpu.dma_semaphore, #tpu.memory_space<semaphore_mem>>
      %dma_start3A_43 = tpu.memref_slice %arg6[%mul3A_2] : memref<32768xi32, #tpu.memory_space<hbm>> -> memref<1024xi32, #tpu.memory_space<hbm>>
      %dma_start3A_44 = tpu.memref_slice %arg6[%mul3A_2] : memref<32768xi32, #tpu.memory_space<hbm>> -> memref<1024xi32, #tpu.memory_space<hbm>>
      tpu.enqueue_dma source(%arg12 : memref<1024xi32, #tpu.memory_space<vmem>>) target(%dma_start3A_44 : memref<1024xi32, #tpu.memory_space<hbm>>) target_semaphore(%run_scoped3A : memref<!tpu.dma_semaphore, #tpu.memory_space<semaphore_mem>>)
      %dma_wait3A_45 = tpu.memref_slice %arg6[%mul3A_2] : memref<32768xi32, #tpu.memory_space<hbm>> -> memref<1024xi32, #tpu.memory_space<hbm>>
      %dma_wait3A_46 = tpu.memref_slice %arg6[%mul3A_2] : memref<32768xi32, #tpu.memory_space<hbm>> -> memref<1024xi32, #tpu.memory_space<hbm>>
      tpu.wait_dma2 semaphore(%run_scoped3A : memref<!tpu.dma_semaphore, #tpu.memory_space<semaphore_mem>>) src(%arg12 : memref<1024xi32, #tpu.memory_space<vmem>>) dst(%dma_wait3A_46 : memref<1024xi32, #tpu.memory_space<hbm>>)
      tpu.yield
    }) : () -> ()
    "tpu.region"() ({
      %run_scoped3A = tpu.sem_alloc : memref<!tpu.dma_semaphore, #tpu.memory_space<semaphore_mem>>
      %dma_start3A_43 = tpu.memref_slice %arg7[%mul3A_2] : memref<32768xi32, #tpu.memory_space<hbm>> -> memref<1024xi32, #tpu.memory_space<hbm>>
      %dma_start3A_44 = tpu.memref_slice %arg7[%mul3A_2] : memref<32768xi32, #tpu.memory_space<hbm>> -> memref<1024xi32, #tpu.memory_space<hbm>>
      tpu.enqueue_dma source(%arg13 : memref<1024xi32, #tpu.memory_space<vmem>>) target(%dma_start3A_44 : memref<1024xi32, #tpu.memory_space<hbm>>) target_semaphore(%run_scoped3A : memref<!tpu.dma_semaphore, #tpu.memory_space<semaphore_mem>>)
      %dma_wait3A_45 = tpu.memref_slice %arg7[%mul3A_2] : memref<32768xi32, #tpu.memory_space<hbm>> -> memref<1024xi32, #tpu.memory_space<hbm>>
      %dma_wait3A_46 = tpu.memref_slice %arg7[%mul3A_2] : memref<32768xi32, #tpu.memory_space<hbm>> -> memref<1024xi32, #tpu.memory_space<hbm>>
      tpu.wait_dma2 semaphore(%run_scoped3A : memref<!tpu.dma_semaphore, #tpu.memory_space<semaphore_mem>>) src(%arg13 : memref<1024xi32, #tpu.memory_space<vmem>>) dst(%dma_wait3A_46 : memref<1024xi32, #tpu.memory_space<hbm>>)
      tpu.yield
    }) : () -> ()
    return
  }
}

module attributes {stable_mosaic.version = 14 : i64} {
  func.func @_gate_body(%arg0: i32, %arg1: memref<4096x768xf32, #tpu.memory_space<vmem>>, %arg2: memref<8x768xf32, #tpu.memory_space<vmem>>, %arg3: memref<32x8x128xf32, #tpu.memory_space<vmem>>) attributes {dimension_semantics = [#tpu.dimension_semantics<arbitrary>], iteration_bounds = array<i64: 8>, scalar_prefetch = 0 : i64, scratch_operands = 0 : i64, tpu.core_type = #tpu.core_type<tc>, window_params = [{transform_indices = @transform_0, window_bounds = array<i64: 4096, 768>}, {pipeline_mode = #tpu.pipeline_mode<synchronous>, transform_indices = @transform_1, window_bounds = array<i64: 8, 768>}, {transform_indices = @transform_2, window_bounds = array<i64: 32, 8, 128>}]} {
    %get3A = arith.constant 0 : index
    %get3A_0 = arith.constant 0 : index
    %get3A_1 = vector.load %arg2[%get3A, %get3A_0] : memref<8x768xf32, #tpu.memory_space<vmem>>, vector<8x768xf32>
    %get3A_2 = arith.constant 0 : index
    %get3A_3 = arith.constant 0 : index
    %get3A_4 = vector.load %arg1[%get3A_2, %get3A_3] : memref<4096x768xf32, #tpu.memory_space<vmem>>, vector<4096x768xf32>
    %dot_general3A = arith.constant dense<0.000000e+00> : vector<8x4096xf32>
    %dot_general3A_5 = tpu.matmul %get3A_1, %get3A_4, %dot_general3A {dimension_numbers = #tpu.dot_dimension_numbers<[1], [1], [0], [0], [0, 0, 1, 0], [], []>, transpose_lhs_hint = false} : vector<8x768xf32>, vector<4096x768xf32>, vector<8x4096xf32> -> vector<8x4096xf32>
    %slice3A = vector.extract_strided_slice %dot_general3A_5 {offsets = [0, 0], sizes = [8, 128], strides = [1, 1]} : vector<8x4096xf32> to vector<8x128xf32>
    %swap3A = arith.constant 0 : index
    %swap3A_6 = arith.constant 0 : index
    %swap3A_7 = arith.constant 0 : index
    %swap3A_8 = vector.load %arg3[%swap3A, %swap3A_6, %swap3A_7] : memref<32x8x128xf32, #tpu.memory_space<vmem>>, vector<1x8x128xf32>
    %swap3A_9 = vector.shape_cast %swap3A_8 : vector<1x8x128xf32> to vector<8x128xf32>
    %swap3A_10 = vector.shape_cast %slice3A : vector<8x128xf32> to vector<1x8x128xf32>
    tpu.vector_store %arg3[%swap3A, %swap3A_6, %swap3A_7], %swap3A_10 {strides = array<i32>} : memref<32x8x128xf32, #tpu.memory_space<vmem>>, vector<1x8x128xf32>,
    %slice3A_11 = vector.extract_strided_slice %dot_general3A_5 {offsets = [0, 128], sizes = [8, 128], strides = [1, 1]} : vector<8x4096xf32> to vector<8x128xf32>
    %swap3A_12 = arith.constant 1 : index
    %swap3A_13 = arith.constant 0 : index
    %swap3A_14 = arith.constant 0 : index
    %swap3A_15 = vector.load %arg3[%swap3A_12, %swap3A_13, %swap3A_14] : memref<32x8x128xf32, #tpu.memory_space<vmem>>, vector<1x8x128xf32>
    %swap3A_16 = vector.shape_cast %swap3A_15 : vector<1x8x128xf32> to vector<8x128xf32>
    %swap3A_17 = vector.shape_cast %slice3A_11 : vector<8x128xf32> to vector<1x8x128xf32>
    tpu.vector_store %arg3[%swap3A_12, %swap3A_13, %swap3A_14], %swap3A_17 {strides = array<i32>} : memref<32x8x128xf32, #tpu.memory_space<vmem>>, vector<1x8x128xf32>,
    %slice3A_18 = vector.extract_strided_slice %dot_general3A_5 {offsets = [0, 256], sizes = [8, 128], strides = [1, 1]} : vector<8x4096xf32> to vector<8x128xf32>
    %swap3A_19 = arith.constant 2 : index
    %swap3A_20 = arith.constant 0 : index
    %swap3A_21 = arith.constant 0 : index
    %swap3A_22 = vector.load %arg3[%swap3A_19, %swap3A_20, %swap3A_21] : memref<32x8x128xf32, #tpu.memory_space<vmem>>, vector<1x8x128xf32>
    %swap3A_23 = vector.shape_cast %swap3A_22 : vector<1x8x128xf32> to vector<8x128xf32>
    %swap3A_24 = vector.shape_cast %slice3A_18 : vector<8x128xf32> to vector<1x8x128xf32>
    tpu.vector_store %arg3[%swap3A_19, %swap3A_20, %swap3A_21], %swap3A_24 {strides = array<i32>} : memref<32x8x128xf32, #tpu.memory_space<vmem>>, vector<1x8x128xf32>,
    %slice3A_25 = vector.extract_strided_slice %dot_general3A_5 {offsets = [0, 384], sizes = [8, 128], strides = [1, 1]} : vector<8x4096xf32> to vector<8x128xf32>
    %swap3A_26 = arith.constant 3 : index
    %swap3A_27 = arith.constant 0 : index
    %swap3A_28 = arith.constant 0 : index
    %swap3A_29 = vector.load %arg3[%swap3A_26, %swap3A_27, %swap3A_28] : memref<32x8x128xf32, #tpu.memory_space<vmem>>, vector<1x8x128xf32>
    %swap3A_30 = vector.shape_cast %swap3A_29 : vector<1x8x128xf32> to vector<8x128xf32>
    %swap3A_31 = vector.shape_cast %slice3A_25 : vector<8x128xf32> to vector<1x8x128xf32>
    tpu.vector_store %arg3[%swap3A_26, %swap3A_27, %swap3A_28], %swap3A_31 {strides = array<i32>} : memref<32x8x128xf32, #tpu.memory_space<vmem>>, vector<1x8x128xf32>,
    %slice3A_32 = vector.extract_strided_slice %dot_general3A_5 {offsets = [0, 512], sizes = [8, 128], strides = [1, 1]} : vector<8x4096xf32> to vector<8x128xf32>
    %swap3A_33 = arith.constant 4 : index
    %swap3A_34 = arith.constant 0 : index
    %swap3A_35 = arith.constant 0 : index
    %swap3A_36 = vector.load %arg3[%swap3A_33, %swap3A_34, %swap3A_35] : memref<32x8x128xf32, #tpu.memory_space<vmem>>, vector<1x8x128xf32>
    %swap3A_37 = vector.shape_cast %swap3A_36 : vector<1x8x128xf32> to vector<8x128xf32>
    %swap3A_38 = vector.shape_cast %slice3A_32 : vector<8x128xf32> to vector<1x8x128xf32>
    tpu.vector_store %arg3[%swap3A_33, %swap3A_34, %swap3A_35], %swap3A_38 {strides = array<i32>} : memref<32x8x128xf32, #tpu.memory_space<vmem>>, vector<1x8x128xf32>,
    %slice3A_39 = vector.extract_strided_slice %dot_general3A_5 {offsets = [0, 640], sizes = [8, 128], strides = [1, 1]} : vector<8x4096xf32> to vector<8x128xf32>
    %swap3A_40 = arith.constant 5 : index
    %swap3A_41 = arith.constant 0 : index
    %swap3A_42 = arith.constant 0 : index
    %swap3A_43 = vector.load %arg3[%swap3A_40, %swap3A_41, %swap3A_42] : memref<32x8x128xf32, #tpu.memory_space<vmem>>, vector<1x8x128xf32>
    %swap3A_44 = vector.shape_cast %swap3A_43 : vector<1x8x128xf32> to vector<8x128xf32>
    %swap3A_45 = vector.shape_cast %slice3A_39 : vector<8x128xf32> to vector<1x8x128xf32>
    tpu.vector_store %arg3[%swap3A_40, %swap3A_41, %swap3A_42], %swap3A_45 {strides = array<i32>} : memref<32x8x128xf32, #tpu.memory_space<vmem>>, vector<1x8x128xf32>,
    %slice3A_46 = vector.extract_strided_slice %dot_general3A_5 {offsets = [0, 768], sizes = [8, 128], strides = [1, 1]} : vector<8x4096xf32> to vector<8x128xf32>
    %swap3A_47 = arith.constant 6 : index
    %swap3A_48 = arith.constant 0 : index
    %swap3A_49 = arith.constant 0 : index
    %swap3A_50 = vector.load %arg3[%swap3A_47, %swap3A_48, %swap3A_49] : memref<32x8x128xf32, #tpu.memory_space<vmem>>, vector<1x8x128xf32>
    %swap3A_51 = vector.shape_cast %swap3A_50 : vector<1x8x128xf32> to vector<8x128xf32>
    %swap3A_52 = vector.shape_cast %slice3A_46 : vector<8x128xf32> to vector<1x8x128xf32>
    tpu.vector_store %arg3[%swap3A_47, %swap3A_48, %swap3A_49], %swap3A_52 {strides = array<i32>} : memref<32x8x128xf32, #tpu.memory_space<vmem>>, vector<1x8x128xf32>,
    %slice3A_53 = vector.extract_strided_slice %dot_general3A_5 {offsets = [0, 896], sizes = [8, 128], strides = [1, 1]} : vector<8x4096xf32> to vector<8x128xf32>
    %swap3A_54 = arith.constant 7 : index
    %swap3A_55 = arith.constant 0 : index
    %swap3A_56 = arith.constant 0 : index
    %swap3A_57 = vector.load %arg3[%swap3A_54, %swap3A_55, %swap3A_56] : memref<32x8x128xf32, #tpu.memory_space<vmem>>, vector<1x8x128xf32>
    %swap3A_58 = vector.shape_cast %swap3A_57 : vector<1x8x128xf32> to vector<8x128xf32>
    %swap3A_59 = vector.shape_cast %slice3A_53 : vector<8x128xf32> to vector<1x8x128xf32>
    tpu.vector_store %arg3[%swap3A_54, %swap3A_55, %swap3A_56], %swap3A_59 {strides = array<i32>} : memref<32x8x128xf32, #tpu.memory_space<vmem>>, vector<1x8x128xf32>,
    %slice3A_60 = vector.extract_strided_slice %dot_general3A_5 {offsets = [0, 1024], sizes = [8, 128], strides = [1, 1]} : vector<8x4096xf32> to vector<8x128xf32>
    %swap3A_61 = arith.constant 8 : index
    %swap3A_62 = arith.constant 0 : index
    %swap3A_63 = arith.constant 0 : index
    %swap3A_64 = vector.load %arg3[%swap3A_61, %swap3A_62, %swap3A_63] : memref<32x8x128xf32, #tpu.memory_space<vmem>>, vector<1x8x128xf32>
    %swap3A_65 = vector.shape_cast %swap3A_64 : vector<1x8x128xf32> to vector<8x128xf32>
    %swap3A_66 = vector.shape_cast %slice3A_60 : vector<8x128xf32> to vector<1x8x128xf32>
    tpu.vector_store %arg3[%swap3A_61, %swap3A_62, %swap3A_63], %swap3A_66 {strides = array<i32>} : memref<32x8x128xf32, #tpu.memory_space<vmem>>, vector<1x8x128xf32>,
    %slice3A_67 = vector.extract_strided_slice %dot_general3A_5 {offsets = [0, 1152], sizes = [8, 128], strides = [1, 1]} : vector<8x4096xf32> to vector<8x128xf32>
    %swap3A_68 = arith.constant 9 : index
    %swap3A_69 = arith.constant 0 : index
    %swap3A_70 = arith.constant 0 : index
    %swap3A_71 = vector.load %arg3[%swap3A_68, %swap3A_69, %swap3A_70] : memref<32x8x128xf32, #tpu.memory_space<vmem>>, vector<1x8x128xf32>
    %swap3A_72 = vector.shape_cast %swap3A_71 : vector<1x8x128xf32> to vector<8x128xf32>
    %swap3A_73 = vector.shape_cast %slice3A_67 : vector<8x128xf32> to vector<1x8x128xf32>
    tpu.vector_store %arg3[%swap3A_68, %swap3A_69, %swap3A_70], %swap3A_73 {strides = array<i32>} : memref<32x8x128xf32, #tpu.memory_space<vmem>>, vector<1x8x128xf32>,
    %slice3A_74 = vector.extract_strided_slice %dot_general3A_5 {offsets = [0, 1280], sizes = [8, 128], strides = [1, 1]} : vector<8x4096xf32> to vector<8x128xf32>
    %swap3A_75 = arith.constant 10 : index
    %swap3A_76 = arith.constant 0 : index
    %swap3A_77 = arith.constant 0 : index
    %swap3A_78 = vector.load %arg3[%swap3A_75, %swap3A_76, %swap3A_77] : memref<32x8x128xf32, #tpu.memory_space<vmem>>, vector<1x8x128xf32>
    %swap3A_79 = vector.shape_cast %swap3A_78 : vector<1x8x128xf32> to vector<8x128xf32>
    %swap3A_80 = vector.shape_cast %slice3A_74 : vector<8x128xf32> to vector<1x8x128xf32>
    tpu.vector_store %arg3[%swap3A_75, %swap3A_76, %swap3A_77], %swap3A_80 {strides = array<i32>} : memref<32x8x128xf32, #tpu.memory_space<vmem>>, vector<1x8x128xf32>,
    %slice3A_81 = vector.extract_strided_slice %dot_general3A_5 {offsets = [0, 1408], sizes = [8, 128], strides = [1, 1]} : vector<8x4096xf32> to vector<8x128xf32>
    %swap3A_82 = arith.constant 11 : index
    %swap3A_83 = arith.constant 0 : index
    %swap3A_84 = arith.constant 0 : index
    %swap3A_85 = vector.load %arg3[%swap3A_82, %swap3A_83, %swap3A_84] : memref<32x8x128xf32, #tpu.memory_space<vmem>>, vector<1x8x128xf32>
    %swap3A_86 = vector.shape_cast %swap3A_85 : vector<1x8x128xf32> to vector<8x128xf32>
    %swap3A_87 = vector.shape_cast %slice3A_81 : vector<8x128xf32> to vector<1x8x128xf32>
    tpu.vector_store %arg3[%swap3A_82, %swap3A_83, %swap3A_84], %swap3A_87 {strides = array<i32>} : memref<32x8x128xf32, #tpu.memory_space<vmem>>, vector<1x8x128xf32>,
    %slice3A_88 = vector.extract_strided_slice %dot_general3A_5 {offsets = [0, 1536], sizes = [8, 128], strides = [1, 1]} : vector<8x4096xf32> to vector<8x128xf32>
    %swap3A_89 = arith.constant 12 : index
    %swap3A_90 = arith.constant 0 : index
    %swap3A_91 = arith.constant 0 : index
    %swap3A_92 = vector.load %arg3[%swap3A_89, %swap3A_90, %swap3A_91] : memref<32x8x128xf32, #tpu.memory_space<vmem>>, vector<1x8x128xf32>
    %swap3A_93 = vector.shape_cast %swap3A_92 : vector<1x8x128xf32> to vector<8x128xf32>
    %swap3A_94 = vector.shape_cast %slice3A_88 : vector<8x128xf32> to vector<1x8x128xf32>
    tpu.vector_store %arg3[%swap3A_89, %swap3A_90, %swap3A_91], %swap3A_94 {strides = array<i32>} : memref<32x8x128xf32, #tpu.memory_space<vmem>>, vector<1x8x128xf32>,
    %slice3A_95 = vector.extract_strided_slice %dot_general3A_5 {offsets = [0, 1664], sizes = [8, 128], strides = [1, 1]} : vector<8x4096xf32> to vector<8x128xf32>
    %swap3A_96 = arith.constant 13 : index
    %swap3A_97 = arith.constant 0 : index
    %swap3A_98 = arith.constant 0 : index
    %swap3A_99 = vector.load %arg3[%swap3A_96, %swap3A_97, %swap3A_98] : memref<32x8x128xf32, #tpu.memory_space<vmem>>, vector<1x8x128xf32>
    %swap3A_100 = vector.shape_cast %swap3A_99 : vector<1x8x128xf32> to vector<8x128xf32>
    %swap3A_101 = vector.shape_cast %slice3A_95 : vector<8x128xf32> to vector<1x8x128xf32>
    tpu.vector_store %arg3[%swap3A_96, %swap3A_97, %swap3A_98], %swap3A_101 {strides = array<i32>} : memref<32x8x128xf32, #tpu.memory_space<vmem>>, vector<1x8x128xf32>,
    %slice3A_102 = vector.extract_strided_slice %dot_general3A_5 {offsets = [0, 1792], sizes = [8, 128], strides = [1, 1]} : vector<8x4096xf32> to vector<8x128xf32>
    %swap3A_103 = arith.constant 14 : index
    %swap3A_104 = arith.constant 0 : index
    %swap3A_105 = arith.constant 0 : index
    %swap3A_106 = vector.load %arg3[%swap3A_103, %swap3A_104, %swap3A_105] : memref<32x8x128xf32, #tpu.memory_space<vmem>>, vector<1x8x128xf32>
    %swap3A_107 = vector.shape_cast %swap3A_106 : vector<1x8x128xf32> to vector<8x128xf32>
    %swap3A_108 = vector.shape_cast %slice3A_102 : vector<8x128xf32> to vector<1x8x128xf32>
    tpu.vector_store %arg3[%swap3A_103, %swap3A_104, %swap3A_105], %swap3A_108 {strides = array<i32>} : memref<32x8x128xf32, #tpu.memory_space<vmem>>, vector<1x8x128xf32>,
    %slice3A_109 = vector.extract_strided_slice %dot_general3A_5 {offsets = [0, 1920], sizes = [8, 128], strides = [1, 1]} : vector<8x4096xf32> to vector<8x128xf32>
    %swap3A_110 = arith.constant 15 : index
    %swap3A_111 = arith.constant 0 : index
    %swap3A_112 = arith.constant 0 : index
    %swap3A_113 = vector.load %arg3[%swap3A_110, %swap3A_111, %swap3A_112] : memref<32x8x128xf32, #tpu.memory_space<vmem>>, vector<1x8x128xf32>
    %swap3A_114 = vector.shape_cast %swap3A_113 : vector<1x8x128xf32> to vector<8x128xf32>
    %swap3A_115 = vector.shape_cast %slice3A_109 : vector<8x128xf32> to vector<1x8x128xf32>
    tpu.vector_store %arg3[%swap3A_110, %swap3A_111, %swap3A_112], %swap3A_115 {strides = array<i32>} : memref<32x8x128xf32, #tpu.memory_space<vmem>>, vector<1x8x128xf32>,
    %slice3A_116 = vector.extract_strided_slice %dot_general3A_5 {offsets = [0, 2048], sizes = [8, 128], strides = [1, 1]} : vector<8x4096xf32> to vector<8x128xf32>
    %swap3A_117 = arith.constant 16 : index
    %swap3A_118 = arith.constant 0 : index
    %swap3A_119 = arith.constant 0 : index
    %swap3A_120 = vector.load %arg3[%swap3A_117, %swap3A_118, %swap3A_119] : memref<32x8x128xf32, #tpu.memory_space<vmem>>, vector<1x8x128xf32>
    %swap3A_121 = vector.shape_cast %swap3A_120 : vector<1x8x128xf32> to vector<8x128xf32>
    %swap3A_122 = vector.shape_cast %slice3A_116 : vector<8x128xf32> to vector<1x8x128xf32>
    tpu.vector_store %arg3[%swap3A_117, %swap3A_118, %swap3A_119], %swap3A_122 {strides = array<i32>} : memref<32x8x128xf32, #tpu.memory_space<vmem>>, vector<1x8x128xf32>,
    %slice3A_123 = vector.extract_strided_slice %dot_general3A_5 {offsets = [0, 2176], sizes = [8, 128], strides = [1, 1]} : vector<8x4096xf32> to vector<8x128xf32>
    %swap3A_124 = arith.constant 17 : index
    %swap3A_125 = arith.constant 0 : index
    %swap3A_126 = arith.constant 0 : index
    %swap3A_127 = vector.load %arg3[%swap3A_124, %swap3A_125, %swap3A_126] : memref<32x8x128xf32, #tpu.memory_space<vmem>>, vector<1x8x128xf32>
    %swap3A_128 = vector.shape_cast %swap3A_127 : vector<1x8x128xf32> to vector<8x128xf32>
    %swap3A_129 = vector.shape_cast %slice3A_123 : vector<8x128xf32> to vector<1x8x128xf32>
    tpu.vector_store %arg3[%swap3A_124, %swap3A_125, %swap3A_126], %swap3A_129 {strides = array<i32>} : memref<32x8x128xf32, #tpu.memory_space<vmem>>, vector<1x8x128xf32>,
    %slice3A_130 = vector.extract_strided_slice %dot_general3A_5 {offsets = [0, 2304], sizes = [8, 128], strides = [1, 1]} : vector<8x4096xf32> to vector<8x128xf32>
    %swap3A_131 = arith.constant 18 : index
    %swap3A_132 = arith.constant 0 : index
    %swap3A_133 = arith.constant 0 : index
    %swap3A_134 = vector.load %arg3[%swap3A_131, %swap3A_132, %swap3A_133] : memref<32x8x128xf32, #tpu.memory_space<vmem>>, vector<1x8x128xf32>
    %swap3A_135 = vector.shape_cast %swap3A_134 : vector<1x8x128xf32> to vector<8x128xf32>
    %swap3A_136 = vector.shape_cast %slice3A_130 : vector<8x128xf32> to vector<1x8x128xf32>
    tpu.vector_store %arg3[%swap3A_131, %swap3A_132, %swap3A_133], %swap3A_136 {strides = array<i32>} : memref<32x8x128xf32, #tpu.memory_space<vmem>>, vector<1x8x128xf32>,
    %slice3A_137 = vector.extract_strided_slice %dot_general3A_5 {offsets = [0, 2432], sizes = [8, 128], strides = [1, 1]} : vector<8x4096xf32> to vector<8x128xf32>
    %swap3A_138 = arith.constant 19 : index
    %swap3A_139 = arith.constant 0 : index
    %swap3A_140 = arith.constant 0 : index
    %swap3A_141 = vector.load %arg3[%swap3A_138, %swap3A_139, %swap3A_140] : memref<32x8x128xf32, #tpu.memory_space<vmem>>, vector<1x8x128xf32>
    %swap3A_142 = vector.shape_cast %swap3A_141 : vector<1x8x128xf32> to vector<8x128xf32>
    %swap3A_143 = vector.shape_cast %slice3A_137 : vector<8x128xf32> to vector<1x8x128xf32>
    tpu.vector_store %arg3[%swap3A_138, %swap3A_139, %swap3A_140], %swap3A_143 {strides = array<i32>} : memref<32x8x128xf32, #tpu.memory_space<vmem>>, vector<1x8x128xf32>,
    %slice3A_144 = vector.extract_strided_slice %dot_general3A_5 {offsets = [0, 2560], sizes = [8, 128], strides = [1, 1]} : vector<8x4096xf32> to vector<8x128xf32>
    %swap3A_145 = arith.constant 20 : index
    %swap3A_146 = arith.constant 0 : index
    %swap3A_147 = arith.constant 0 : index
    %swap3A_148 = vector.load %arg3[%swap3A_145, %swap3A_146, %swap3A_147] : memref<32x8x128xf32, #tpu.memory_space<vmem>>, vector<1x8x128xf32>
    %swap3A_149 = vector.shape_cast %swap3A_148 : vector<1x8x128xf32> to vector<8x128xf32>
    %swap3A_150 = vector.shape_cast %slice3A_144 : vector<8x128xf32> to vector<1x8x128xf32>
    tpu.vector_store %arg3[%swap3A_145, %swap3A_146, %swap3A_147], %swap3A_150 {strides = array<i32>} : memref<32x8x128xf32, #tpu.memory_space<vmem>>, vector<1x8x128xf32>,
    %slice3A_151 = vector.extract_strided_slice %dot_general3A_5 {offsets = [0, 2688], sizes = [8, 128], strides = [1, 1]} : vector<8x4096xf32> to vector<8x128xf32>
    %swap3A_152 = arith.constant 21 : index
    %swap3A_153 = arith.constant 0 : index
    %swap3A_154 = arith.constant 0 : index
    %swap3A_155 = vector.load %arg3[%swap3A_152, %swap3A_153, %swap3A_154] : memref<32x8x128xf32, #tpu.memory_space<vmem>>, vector<1x8x128xf32>
    %swap3A_156 = vector.shape_cast %swap3A_155 : vector<1x8x128xf32> to vector<8x128xf32>
    %swap3A_157 = vector.shape_cast %slice3A_151 : vector<8x128xf32> to vector<1x8x128xf32>
    tpu.vector_store %arg3[%swap3A_152, %swap3A_153, %swap3A_154], %swap3A_157 {strides = array<i32>} : memref<32x8x128xf32, #tpu.memory_space<vmem>>, vector<1x8x128xf32>,
    %slice3A_158 = vector.extract_strided_slice %dot_general3A_5 {offsets = [0, 2816], sizes = [8, 128], strides = [1, 1]} : vector<8x4096xf32> to vector<8x128xf32>
    %swap3A_159 = arith.constant 22 : index
    %swap3A_160 = arith.constant 0 : index
    %swap3A_161 = arith.constant 0 : index
    %swap3A_162 = vector.load %arg3[%swap3A_159, %swap3A_160, %swap3A_161] : memref<32x8x128xf32, #tpu.memory_space<vmem>>, vector<1x8x128xf32>
    %swap3A_163 = vector.shape_cast %swap3A_162 : vector<1x8x128xf32> to vector<8x128xf32>
    %swap3A_164 = vector.shape_cast %slice3A_158 : vector<8x128xf32> to vector<1x8x128xf32>
    tpu.vector_store %arg3[%swap3A_159, %swap3A_160, %swap3A_161], %swap3A_164 {strides = array<i32>} : memref<32x8x128xf32, #tpu.memory_space<vmem>>, vector<1x8x128xf32>,
    %slice3A_165 = vector.extract_strided_slice %dot_general3A_5 {offsets = [0, 2944], sizes = [8, 128], strides = [1, 1]} : vector<8x4096xf32> to vector<8x128xf32>
    %swap3A_166 = arith.constant 23 : index
    %swap3A_167 = arith.constant 0 : index
    %swap3A_168 = arith.constant 0 : index
    %swap3A_169 = vector.load %arg3[%swap3A_166, %swap3A_167, %swap3A_168] : memref<32x8x128xf32, #tpu.memory_space<vmem>>, vector<1x8x128xf32>
    %swap3A_170 = vector.shape_cast %swap3A_169 : vector<1x8x128xf32> to vector<8x128xf32>
    %swap3A_171 = vector.shape_cast %slice3A_165 : vector<8x128xf32> to vector<1x8x128xf32>
    tpu.vector_store %arg3[%swap3A_166, %swap3A_167, %swap3A_168], %swap3A_171 {strides = array<i32>} : memref<32x8x128xf32, #tpu.memory_space<vmem>>, vector<1x8x128xf32>,
    %slice3A_172 = vector.extract_strided_slice %dot_general3A_5 {offsets = [0, 3072], sizes = [8, 128], strides = [1, 1]} : vector<8x4096xf32> to vector<8x128xf32>
    %swap3A_173 = arith.constant 24 : index
    %swap3A_174 = arith.constant 0 : index
    %swap3A_175 = arith.constant 0 : index
    %swap3A_176 = vector.load %arg3[%swap3A_173, %swap3A_174, %swap3A_175] : memref<32x8x128xf32, #tpu.memory_space<vmem>>, vector<1x8x128xf32>
    %swap3A_177 = vector.shape_cast %swap3A_176 : vector<1x8x128xf32> to vector<8x128xf32>
    %swap3A_178 = vector.shape_cast %slice3A_172 : vector<8x128xf32> to vector<1x8x128xf32>
    tpu.vector_store %arg3[%swap3A_173, %swap3A_174, %swap3A_175], %swap3A_178 {strides = array<i32>} : memref<32x8x128xf32, #tpu.memory_space<vmem>>, vector<1x8x128xf32>,
    %slice3A_179 = vector.extract_strided_slice %dot_general3A_5 {offsets = [0, 3200], sizes = [8, 128], strides = [1, 1]} : vector<8x4096xf32> to vector<8x128xf32>
    %swap3A_180 = arith.constant 25 : index
    %swap3A_181 = arith.constant 0 : index
    %swap3A_182 = arith.constant 0 : index
    %swap3A_183 = vector.load %arg3[%swap3A_180, %swap3A_181, %swap3A_182] : memref<32x8x128xf32, #tpu.memory_space<vmem>>, vector<1x8x128xf32>
    %swap3A_184 = vector.shape_cast %swap3A_183 : vector<1x8x128xf32> to vector<8x128xf32>
    %swap3A_185 = vector.shape_cast %slice3A_179 : vector<8x128xf32> to vector<1x8x128xf32>
    tpu.vector_store %arg3[%swap3A_180, %swap3A_181, %swap3A_182], %swap3A_185 {strides = array<i32>} : memref<32x8x128xf32, #tpu.memory_space<vmem>>, vector<1x8x128xf32>,
    %slice3A_186 = vector.extract_strided_slice %dot_general3A_5 {offsets = [0, 3328], sizes = [8, 128], strides = [1, 1]} : vector<8x4096xf32> to vector<8x128xf32>
    %swap3A_187 = arith.constant 26 : index
    %swap3A_188 = arith.constant 0 : index
    %swap3A_189 = arith.constant 0 : index
    %swap3A_190 = vector.load %arg3[%swap3A_187, %swap3A_188, %swap3A_189] : memref<32x8x128xf32, #tpu.memory_space<vmem>>, vector<1x8x128xf32>
    %swap3A_191 = vector.shape_cast %swap3A_190 : vector<1x8x128xf32> to vector<8x128xf32>
    %swap3A_192 = vector.shape_cast %slice3A_186 : vector<8x128xf32> to vector<1x8x128xf32>
    tpu.vector_store %arg3[%swap3A_187, %swap3A_188, %swap3A_189], %swap3A_192 {strides = array<i32>} : memref<32x8x128xf32, #tpu.memory_space<vmem>>, vector<1x8x128xf32>,
    %slice3A_193 = vector.extract_strided_slice %dot_general3A_5 {offsets = [0, 3456], sizes = [8, 128], strides = [1, 1]} : vector<8x4096xf32> to vector<8x128xf32>
    %swap3A_194 = arith.constant 27 : index
    %swap3A_195 = arith.constant 0 : index
    %swap3A_196 = arith.constant 0 : index
    %swap3A_197 = vector.load %arg3[%swap3A_194, %swap3A_195, %swap3A_196] : memref<32x8x128xf32, #tpu.memory_space<vmem>>, vector<1x8x128xf32>
    %swap3A_198 = vector.shape_cast %swap3A_197 : vector<1x8x128xf32> to vector<8x128xf32>
    %swap3A_199 = vector.shape_cast %slice3A_193 : vector<8x128xf32> to vector<1x8x128xf32>
    tpu.vector_store %arg3[%swap3A_194, %swap3A_195, %swap3A_196], %swap3A_199 {strides = array<i32>} : memref<32x8x128xf32, #tpu.memory_space<vmem>>, vector<1x8x128xf32>,
    %slice3A_200 = vector.extract_strided_slice %dot_general3A_5 {offsets = [0, 3584], sizes = [8, 128], strides = [1, 1]} : vector<8x4096xf32> to vector<8x128xf32>
    %swap3A_201 = arith.constant 28 : index
    %swap3A_202 = arith.constant 0 : index
    %swap3A_203 = arith.constant 0 : index
    %swap3A_204 = vector.load %arg3[%swap3A_201, %swap3A_202, %swap3A_203] : memref<32x8x128xf32, #tpu.memory_space<vmem>>, vector<1x8x128xf32>
    %swap3A_205 = vector.shape_cast %swap3A_204 : vector<1x8x128xf32> to vector<8x128xf32>
    %swap3A_206 = vector.shape_cast %slice3A_200 : vector<8x128xf32> to vector<1x8x128xf32>
    tpu.vector_store %arg3[%swap3A_201, %swap3A_202, %swap3A_203], %swap3A_206 {strides = array<i32>} : memref<32x8x128xf32, #tpu.memory_space<vmem>>, vector<1x8x128xf32>,
    %slice3A_207 = vector.extract_strided_slice %dot_general3A_5 {offsets = [0, 3712], sizes = [8, 128], strides = [1, 1]} : vector<8x4096xf32> to vector<8x128xf32>
    %swap3A_208 = arith.constant 29 : index
    %swap3A_209 = arith.constant 0 : index
    %swap3A_210 = arith.constant 0 : index
    %swap3A_211 = vector.load %arg3[%swap3A_208, %swap3A_209, %swap3A_210] : memref<32x8x128xf32, #tpu.memory_space<vmem>>, vector<1x8x128xf32>
    %swap3A_212 = vector.shape_cast %swap3A_211 : vector<1x8x128xf32> to vector<8x128xf32>
    %swap3A_213 = vector.shape_cast %slice3A_207 : vector<8x128xf32> to vector<1x8x128xf32>
    tpu.vector_store %arg3[%swap3A_208, %swap3A_209, %swap3A_210], %swap3A_213 {strides = array<i32>} : memref<32x8x128xf32, #tpu.memory_space<vmem>>, vector<1x8x128xf32>,
    %slice3A_214 = vector.extract_strided_slice %dot_general3A_5 {offsets = [0, 3840], sizes = [8, 128], strides = [1, 1]} : vector<8x4096xf32> to vector<8x128xf32>
    %swap3A_215 = arith.constant 30 : index
    %swap3A_216 = arith.constant 0 : index
    %swap3A_217 = arith.constant 0 : index
    %swap3A_218 = vector.load %arg3[%swap3A_215, %swap3A_216, %swap3A_217] : memref<32x8x128xf32, #tpu.memory_space<vmem>>, vector<1x8x128xf32>
    %swap3A_219 = vector.shape_cast %swap3A_218 : vector<1x8x128xf32> to vector<8x128xf32>
    %swap3A_220 = vector.shape_cast %slice3A_214 : vector<8x128xf32> to vector<1x8x128xf32>
    tpu.vector_store %arg3[%swap3A_215, %swap3A_216, %swap3A_217], %swap3A_220 {strides = array<i32>} : memref<32x8x128xf32, #tpu.memory_space<vmem>>, vector<1x8x128xf32>,
    %slice3A_221 = vector.extract_strided_slice %dot_general3A_5 {offsets = [0, 3968], sizes = [8, 128], strides = [1, 1]} : vector<8x4096xf32> to vector<8x128xf32>
    %swap3A_222 = arith.constant 31 : index
    %swap3A_223 = arith.constant 0 : index
    %swap3A_224 = arith.constant 0 : index
    %swap3A_225 = vector.load %arg3[%swap3A_222, %swap3A_223, %swap3A_224] : memref<32x8x128xf32, #tpu.memory_space<vmem>>, vector<1x8x128xf32>
    %swap3A_226 = vector.shape_cast %swap3A_225 : vector<1x8x128xf32> to vector<8x128xf32>
    %swap3A_227 = vector.shape_cast %slice3A_221 : vector<8x128xf32> to vector<1x8x128xf32>
    tpu.vector_store %arg3[%swap3A_222, %swap3A_223, %swap3A_224], %swap3A_227 {strides = array<i32>} : memref<32x8x128xf32, #tpu.memory_space<vmem>>, vector<1x8x128xf32>,
    return
  }
  func.func @transform_0(%arg0: i32) -> (i32, i32) {
    %c0_i32 = arith.constant 0 : i32
    %c0_i32_0 = arith.constant 0 : i32
    return %arg0, %c0_i32 : i32, i32
  }
  func.func @transform_1(%arg0: i32) -> (i32, i32) {
    %c0_i32 = arith.constant 0 : i32
    %c0_i32_0 = arith.constant 0 : i32
    %c0_i32_1 = arith.constant 0 : i32
    return %c0_i32, %c0_i32_0 : i32, i32
  }
  func.func @transform_2(%arg0: i32) -> (i32, i32, i32) {
    %c0_i32 = arith.constant 0 : i32
    %c0_i32_0 = arith.constant 0 : i32
    %c0_i32_1 = arith.constant 0 : i32
    return %arg0, %c0_i32, %c0_i32_0 : i32, i32, i32
  }
}

</mosaic_0001>

<sc_bundles>
// kernel: kernel.4.cloned.1.call-start
scs
__scs_entry_jumppad:
0x0: {  	(pc) =	sbr.rel $0x88, $3  }
0x1: {  	(tag) =	ssettag $0x0;
	lr =	simm.s32 $0x1  }
0x2: {  	[smem:$0x3F9E] =	sst lr;
	_ =	strace $0xD0000000  }
0x3: {  	_ = 	snop  }
0x4: {  	_ = 	snop  }
0x5: {  	_ = 	snop  }
0x6: {  	_ = 	snop  }
0x7: {  	_ = 	snop  }
__scs_overlays_trampoline_lowered:
0x8: {  	[smem:$0x3FAD] =	sst s0  }
0x9: {  	[smem:$0x3FAE] =	sst s1  }
0xa: {  	[smem:$0x3FAF] =	sst s2  }
0xb: {  	[smem:$0x3FB0] =	sst s3  }
0xc: {  	[smem:$0x3FB1] =	sst s4  }
0xd: {  	[smem:$0x3FB2] =	sst s5  }
0xe: {  	[smem:$0x3FB3] =	sst s6  }
0xf: {  	[smem:$0x3FB4] =	sst s7  }
0x10: {  	[smem:$0x3FB5] =	sst s8  }
0x11: {  	[smem:$0x3FB6] =	sst s9;
	s0 =	simm.s32 @!p0 $0x0  }
0x12: {  	s1 =	sld [smem:$0x3F9C];
	s0 =	simm.s32 @p0 $0x1  }
0x13: {  	[smem:$0x3FB7] =	sst s0;
	s0 =	simm.s32 @!p1 $0x0  }
0x14: {  	s2 =	sld [smem:$0x3F9B];
	s0 =	simm.s32 @p1 $0x1  }
0x15: {  	[smem:$0x3FB8] =	sst s0;
	s0 =	simm.s32 @!p2 $0x0  }
0x16: {  	s3 =	sld [smem:$0x3FDB];
	s0 =	simm.s32 @p2 $0x1  }
0x17: {  	s4 =	simm.s32 $0x1BF5;
	[smem:$0x3FBA] =	sst s0  }
0x18: {  	s0 =	sld [smem:$0x3F9D];
	_ =	swait.ge [sflag:s4], $0x0  }
0x19: {  	s7 =	sld [smem:$0x3F9E]  }
0x1a: {  	s8 =	sadd.s32 $0xFFFFE003, lr  }
0x1b: {  	s9 =	sadd.s32 $0xFFFFFEF7, lr;
	s5 =	simm.s32 $0xFFFFFFFF;
	p2 =	slt.u32 s8, $0xFFFFF086  }
0x1c: {  	p1 =	slt.u32 s9, $0xF7A;
	s5 =	simm.s32 @!p2 $0x0  }
0x1d: {  	s5 =	simm.s32 @p1 $0x1;
	p0 =	seq.s32 s7, s2  }
0x1e: {  	s7 =	smul.u32 @!p0 $0xF7A, s2;
	p2 =	seq.s32 @!p0 s5, $0x0  }
0x1f: {  	s9 =	smul.u32 $0xF7A, s1;
	s8 =	simm.s32 @!p0 $0x1BF5;
	p2 =	por !p2, p0  }
0x20: {  	[sflag:s8] =	ssyncset.s32 @!p0 $0xFFFFF086;
	s6 =	sadd.s32 @!p0 s3, s7;
	s7 =	simm.s32 @!p0 $0x108  }
0x21: {  	s3 =	sadd.s32 s3, s9;
	s6 =	sadd.s32 @!p0 $0x88, s6;
	s7 =	simm.s32 @p2 $0x1082  }
0x22: {  	[simem:s7], [sflag:s8] =	dma.local @!p0 [hbm:s6], $0xF7A  }
0x23: {  	s9 =	sor.u32 $0xD0000000, s2;
	s6 =	simm.s32 $0x108;
	_ =	swait.ge @!p0 [sflag:s8], $0x0  }
0x24: {  	s3 =	sadd.s32 $0x88, s3;
	s6 =	simm.s32 @!p1 $0x1082;
	[sflag:s4] =	ssyncset.s32 $0xFFFFF086  }
0x25: {  	[simem:s6], [sflag:s4] =	dma.local [hbm:s3], $0xF7A  }
0x26: {  	[smem:$0x3F9E] =	sst s1;
	(tag) =	ssettag s2;
	_ =	strace s9  }
0x27: {  	s1 =	sld [smem:$0x3FAE]  }
0x28: {  	s2 =	sld [smem:$0x3FAF]  }
0x29: {  	s4 =	sld [smem:$0x3FB1]  }
0x2a: {  	p0 =	seq.s32 s5, $0x0;
	s5 =	sld [smem:$0x3FB2]  }
0x2b: {  	s6 =	sld [smem:$0x3FB3]  }
0x2c: {  	s7 =	sld [smem:$0x3FB4]  }
0x2d: {  	s3 =	simm.s32 $0x108;
	s8 =	sld [smem:$0x3FB5]  }
0x2e: {  	s3 =	simm.s32 @!p0 $0x1082;
	s9 =	sld [smem:$0x3FB6]  }
0x2f: {  	lr =	sadd.s32 s0, s3;
	s0 =	sld [smem:$0x3FAD]  }
0x30: {  	s3 =	sld [smem:$0x3FB0]  }
0x31: {  	[smem:$0x3FB9] =	sst s10  }
0x32: {  	s10 =	sld [smem:$0x3FB7];
	_ =	sdelay $0x3  }
0x33: {  	p0 =	seq.s32 s10, $0x1;
	s10 =	sld [smem:$0x3FB9];
	_ =	sdelay $0x3  }
0x34: {  	[smem:$0x3FB9] =	sst s10  }
0x35: {  	s10 =	sld [smem:$0x3FB8];
	_ =	sdelay $0x3  }
0x36: {  	p1 =	seq.s32 s10, $0x1;
	s10 =	sld [smem:$0x3FB9];
	_ =	sdelay $0x3  }
0x37: {  	[smem:$0x3FB9] =	sst s10  }
0x38: {  	s10 =	sld [smem:$0x3FBA]  }
0x39: {  	_ = 	snop;
	(pc) =	sbr.ind lr, $3  }
0x3a: {  	_ = 	snop  }
0x3b: {  	_ = 	snop  }
0x3c: {  	p2 =	seq.s32 s10, $0x1;
	s10 =	sld [smem:$0x3FB9]  }
0x3d: {  	_ =	shalt  }
0x3e: {  	_ =	shalt  }
0x3f: {  	_ =	shalt  }
0x40: {  	_ =	shalt  }
0x41: {  	_ =	shalt  }
0x42: {  	_ =	shalt  }
0x43: {  	_ =	shalt  }
0x44: {  	_ =	shalt  }
0x45: {  	_ =	shalt  }
0x46: {  	_ =	shalt  }
0x47: {  	_ =	shalt  }
0x48: {  	_ =	shalt  }
0x49: {  	_ =	shalt  }
0x4a: {  	_ =	shalt  }
0x4b: {  	_ =	shalt  }
0x4c: {  	_ =	shalt  }
0x4d: {  	_ =	shalt  }
0x4e: {  	_ =	shalt  }
0x4f: {  	_ =	shalt  }
0x50: {  	_ =	shalt  }
0x51: {  	_ =	shalt  }
0x52: {  	_ =	shalt  }
0x53: {  	_ =	shalt  }
0x54: {  	_ =	shalt  }
0x55: {  	_ =	shalt  }
0x56: {  	_ =	shalt  }
0x57: {  	_ =	shalt  }
0x58: {  	_ =	shalt  }
0x59: {  	_ =	shalt  }
0x5a: {  	_ =	shalt  }
0x5b: {  	_ =	shalt  }
0x5c: {  	_ =	shalt  }
0x5d: {  	_ =	shalt  }
0x5e: {  	_ =	shalt  }
0x5f: {  	_ =	shalt  }
0x60: {  	_ =	shalt  }
0x61: {  	_ =	shalt  }
0x62: {  	_ =	shalt  }
0x63: {  	_ =	shalt  }
0x64: {  	_ =	shalt  }
0x65: {  	_ =	shalt  }
0x66: {  	_ =	shalt  }
0x67: {  	_ =	shalt  }
0x68: {  	_ =	shalt  }
0x69: {  	_ =	shalt  }
0x6a: {  	_ =	shalt  }
0x6b: {  	_ =	shalt  }
0x6c: {  	_ =	shalt  }
0x6d: {  	_ =	shalt  }
0x6e: {  	_ =	shalt  }
0x6f: {  	_ =	shalt  }
0x70: {  	_ =	shalt  }
0x71: {  	_ =	shalt  }
0x72: {  	_ =	shalt  }
0x73: {  	_ =	shalt  }
0x74: {  	_ =	shalt  }
0x75: {  	_ =	shalt  }
0x76: {  	_ =	shalt  }
0x77: {  	_ =	shalt  }
0x78: {  	_ =	shalt  }
0x79: {  	_ =	shalt  }
0x7a: {  	_ =	shalt  }
0x7b: {  	_ =	shalt  }
0x7c: {  	_ =	shalt  }
0x7d: {  	_ =	shalt  }
0x7e: {  	_ =	shalt  }
0x7f: {  	_ =	shalt  }
0x80: {  	_ =	shalt  }
0x81: {  	_ =	shalt  }
0x82: {  	_ =	shalt  }
0x83: {  	_ =	shalt  }
0x84: {  	_ =	shalt  }
0x85: {  	_ =	shalt  }
0x86: {  	_ =	shalt  }
0x87: {  	_ =	shalt  }
.Lfunc_end0:
.L_simem_size_0:
called_computation_lowered:
.L_overlay_start_0:
0x88: {  	s2 =	sld [smem:$0x3FD9]  }
0x89: {  	s3 =	sld [smem:$0x3FFE];
	_ =	sdelay $0x1  }
0x8a: {  	s1 =	srdreg.scid  }
0x8b: {  	s0 =	sand.u32 $0x1, s1  }
0x8c: {  	s14 =	sshll.u32 s0, $0xA;
	s2 =	sadd.s32 s3, s2  }
0x8d: {  	s2 =	sadd.s32 s2, s14  }
0x8e: {  	[smem:$0x3FC5] =	sst s2  }
0x8f: {  	_ = 	snop  }
0x90: {  	s2 =	sld [smem:$0x3FD0];
	_ =	sdelay $0x2  }
0x91: {  	s4 =	simm.s32 $0xA;
	s5 =	simm.s32 $0x10;
	s15 =	sld [smem:$0x3FC7]  }
0x92: {  	[smem:s5], [sflag:s4] =	dma.local [hbm:s2], $0x1  }
0x93: {  	_ =	swait.eq [sflag:s4], $0x1  }
0x94: {  	[sflag:s4] =	ssyncset.done $0x0  }
0x95: {  	[sflag:s4] =	ssyncadd.s32 $0xFFFFFFFF  }
0x96: {  	s16 =	sld [smem:$0x11];
	(tm) =	ssettm $0x1  }
0x97: {  	s17 =	sld [smem:$0x3FFB];
	_ =	sdelay $0x3  }
0x98: {  	_ =	strace s17  }
0x99: {  	s4 =	sld [smem:$0x3FFC];
	_ =	sdelay $0x3  }
0x9a: {  	_ =	strace s4  }
0x9b: {  	s4 =	sld [smem:$0x3FFD];
	_ =	sdelay $0x3  }
0x9c: {  	_ =	strace s4  }
0x9d: {  	_ =	strace $0x8FFFFFFF  }
0x9e: {  	s18 =	sld [smem:$0x3FDB];
	_ =	sdelay $0x1  }
0x9f: {  	s19 =	simm.s32 $_scs_section_size  }
0xa0: {  	s6 =	simm.s32 $_size__tile_overlayer_lowered;
	s7 =	simm.s32 $_tile_overlayer_lowered  }
0xa1: {  	s22 =	simm.s32 $0x1BFF;
	s21 =	sshll.u32 s7, $0x1;
	s4 =	sadd.s32 s19, s18  }
0xa2: {  	s8 =	simm.s32 $0x0;
	s20 =	sshll.u32 s6, $0x1;
	s6 =	sadd.s32 s21, s4  }
0xa3: {  	[timem:s8], [sflag:s22] =	dma.local [hbm:s6], s20  }
0xa4: {  	_ =	swait.ge [sflag:s22], s20  }
0xa5: {  	s5 =	ssub.s32 $0x0, s20;
	[sflag:s22] =	ssyncset.done $0x0  }
0xa6: {  	[sflag:s22] =	ssyncadd.s32 s5;
	_ =	sdelay $0x1  }
0xa7: {  	s23 =	simm.s32 $0x1B8B  }
0xa8: {  	_ =	swait.ge [sflag:s23], $0x1  }
0xa9: {  	[sflag:s23] =	ssyncset.done $0x0  }
0xaa: {  	s25 =	simm.s32 $0x1B8E;
	s24 =	sld [smem:$0x3FFE];
	[sflag:s23] =	ssyncadd.s32 $0xFFFFFFFF  }
0xab: {  	s26 =	simm.s32 $execute0_lowered;
	[smem:$0x3FD2] =	sst s25  }
0xac: {  	s6 =	sshll.u32 s26, $0x1;
	_ =	strace $0x80000046;
	[dreg:$0x1] =	wrdreg $0xFFFFFFFF  }
0xad: {  	s28 =	simm.s32 $_size_execute0_lowered;
	s4 =	sadd.s32 s4, s6;
	[dreg:$0x0] =	wrdreg $0x0  }
0xae: {  	s6 =	sshll.u32 s28, $0x1;
	[dreg:$0x2] =	wrdreg s4  }
0xaf: {  	[dreg:$0x3] =	wrdreg s6  }
0xb0: {  	[dreg:$0x4] =	wrdreg $0xC0  }
0xb1: {  	_ =	task [dreg:s8], $0x5FFFF  }
0xb2: {  	[dreg:$0x1] =	wrdreg $0xFFFFFFFF  }
0xb3: {  	[dreg:$0x0] =	wrdreg $0x60  }
0xb4: {  	[dreg:$0x2] =	wrdreg s24  }
0xb5: {  	[dreg:$0x3] =	wrdreg s15  }
0xb6: {  	[dreg:$0x4] =	wrdreg s16  }
0xb7: {  	[dreg:$0x5] =	wrdreg $0x9  }
0xb8: {  	_ =	task.clear_ibuf [dreg:s8], $0x6FFFF;
	_ =	strace $0x90000046  }
0xb9: {  	s29 =	simm.s32 $0x9;
	_ =	strace $0x80000048  }
0xba: {  	_ =	swait.ge [sflag:s29], $0x1  }
0xbb: {  	[sflag:s29] =	ssyncadd.s32 $0xFFFFFFFF  }
0xbc: {  	_ =	strace $0x90000048  }
0xbd: {  	_ =	sfence  }
0xbe: {  	s30 =	sld [smem:$0x0];
	_ =	sdelay $0x2  }
0xbf: {  	s31 =	sshll.u32 s1, $0xD;
	s1 =	sshrl.u32 s1, $0x2  }
0xc0: {  	s3 =	sand.u32 $0x4000, s31;
	s1 =	sadd.s32 s1, s30  }
0xc1: {  	s0 =	sor.u32 s3, s0;
	s1 =	sshll.u32 s1, $0x11  }
0xc2: {  	s0 =	sor.u32 s1, s0  }
0xc3: {  	s0 =	sadd.s32 $0x8F2B, s0  }
0xc4: {  	[sflag:s0] =	ssyncadd.remote.s32 $0x1  }
0xc5: {  	_ =	sfence.sel $0xFFFF  }
0xc6: {  	[dreg:$0x0] =	wrdreg $0xFFFFFFFF;
	(pc) =	sbr.abs _section_cstart, $3  }
0xc7: {  	[dreg:$0x1] =	wrdreg $0xFFFFFFFF  }
0xc8: {  	_ =	task.clear_ibuf [dreg:s8], $0x2FFFF;
	_ =	strace $0x9FFFFFFF  }
0xc9: {  	(tm) =	ssettm $0x7FFFFFFF  }
tec
execute0_lowered:
.L_overlay_start_1:
0x0: {  	(tag) =	ssettag $0x1  }
0x1: {  	s4 =	rddreg [dreg:$0x0]  }
0x2: {  	s1 =	rddreg [dreg:$0x1]  }
0x3: {  	s5 =	rddreg [dreg:$0x2]  }
0x4: {  	s0 =	rddreg [dreg:$0x3];
	s3 =	simm.s32 $0x0;
	s6 =	srdreg.scid  }
0x5: {  	s2 =	stileid.u32;
	s11 =	simm.s32 $0x2;
	s12 =	simm.s32 $0x1  }
0x6: {  	s13 =	simm.s32 $0x2080;
	s14 =	simm.s32 $0x2480;
	s15 =	simm.s32 $0x2880  }
0x7: {  	s16 =	simm.s32 $0x2C80;
	s6 =	sand.u32 $0x1, s6;
	s7 =	sshll.u32 s2, $0x1  }
0x8: {  	s17 =	simm.s32 $0x0;
	[smem:$0x7FF] =	sst s3;
	s7 =	sor.u32 s6, s7  }
0x9: {  	_ =	strace $0x80000047;
	s6 =	ssub.s32 $0x2, s6;
	s8 =	sshll.u32 s7, $0xA  }
0xa: {  	s7 =	sshll.u32 s7, $0x7;
	s31 =	sshrl.u32 s6, $0x1;
	s8 =	sadd.s32 s8, s4  }
0xb: {  	s9 =	sadd.s32 s7, s4;
	s10 =	ssub.s32 s6, s31;
	s5 =	sadd.s32 s5, s7  }
0xc: {  	s4 =	sadd.s32 $0xC00, s8;
	s6 =	sadd.s32 $0x8C00, s9;
	s7 =	sadd.s32 $0x9C00, s9  }
0xd: {  	v0 =	vimm.s32 $0x0;
	s8 =	sadd.s32 $0xAC00, s9;
	s9 =	smax.u32 s10, $0x1;
	s10 =	simm.s32 $0x2000  }
.LBB2_1:
0xe: {  	[tilespmem:s10], [sflag:$0x2] =	stream.linear.gather [hbm4b:s1+s3], $0x8, $0x38;
	[tilespmem:$0x3080] =	vst v63  }
0xf: {  	_ =	swait.ge [sflag:s11], $0x8  }
0x10: {  	[sflag:s11] =	ssyncset.done $0x0  }
0x11: {  	[sflag:s11] =	ssyncadd.s32 $0xFFFFFFF8  }
0x12: {  	[tilespmem:s3], [sflag:$0x1] =	stream.linear.gather [hbm4b:s4+s3], $0x2000, $0x38;
	[tilespmem:$0x3080] =	vst v63  }
0x13: {  	_ =	swait.ge [sflag:s12], $0x2000  }
0x14: {  	[sflag:s12] =	ssyncset.done $0x0  }
0x15: {  	[sflag:s12] =	ssyncadd.s32 $0xFFFFE000  }
0x16: {  	s18 =	sand.u32 $0x70, s3;
	s19 =	sand.u32 $0x1C00, s3;
	v8 =	vld [tilespmem:$0x2000]  }
0x17: {  	s18 =	sor.u32 s18, s19  }
0x18: {  	v1 =	vld [tilespmem:s18+$0x80]  }
0x19: {  	v2 =	vld [tilespmem:s18+$0x0];
	_ =	sdelay $0x1  }
0x1a: {  	v5 =	vbroadcast v8, $0x1  }
0x1b: {  	v3 =	vld [tilespmem:s18+$0x100];
	v4 =	vbroadcast v8, $0x0  }
0x1c: {  	v6 =	vadd.f32 v1, v5  }
0x1d: {  	v7 =	vadd.f32 v2, v4  }
0x1e: {  	v9 =	vld [tilespmem:s18+$0x180];
	v1 =	vbroadcast v8, $0x2;
	vm1 =	vlt.f32 v6, $-Inf;
	vm2 =	vgt.f32 v6, $-Inf  }
0x1f: {  	vm0 =	vgt.f32 v6, v7;
	vm1 =	vmor vm2, vm1  }
0x20: {  	v11 =	vadd.f32 v3, v1;
	vm2 =	vmneg vm0;
	v10 =	vnsel vm1, $0xFF800000, v6  }
0x21: {  	v12 =	vld [tilespmem:s18+$0x200];
	v2 =	vbroadcast v8, $0x3;
	v3 =	vsel vm2, v10, v7  }
0x22: {  	v6 =	vsel vm2, v7, v6;
	vm4 =	vgt.f32 v11, v3  }
0x23: {  	v9 =	vadd.f32 v9, v2;
	vm3 =	vgt.f32 v11, v6;
	v7 =	vsel vm4, v11, v3  }
0x24: {  	v10 =	vld [tilespmem:s18+$0x280];
	v3 =	vbroadcast v8, $0x4;
	v7 =	vsel vm3, v6, v7  }
0x25: {  	v11 =	vsel vm3, v11, v6;
	vm6 =	vgt.f32 v9, v7  }
0x26: {  	vm5 =	vgt.f32 v9, v11;
	v12 =	vadd.f32 v12, v3;
	v7 =	vsel vm6, v9, v7  }
0x27: {  	v13 =	vld [tilespmem:s18+$0x300];
	v6 =	vbroadcast v8, $0x5;
	v7 =	vsel vm5, v11, v7  }
0x28: {  	v9 =	vsel vm5, v9, v11;
	vm8 =	vgt.f32 v12, v7  }
0x29: {  	v10 =	vadd.f32 v10, v6;
	vm7 =	vgt.f32 v12, v9;
	v11 =	vsel vm8, v12, v7  }
0x2a: {  	v14 =	vld [tilespmem:s18+$0x380];
	v7 =	vbroadcast v8, $0x6;
	v11 =	vsel vm7, v9, v11  }
0x2b: {  	v9 =	vsel vm7, v12, v9;
	vm11 =	vgt.f32 v10, v11  }
0x2c: {  	vm10 =	vgt.f32 v10, v9;
	v61 =	vadd.f32 v13, v7;
	v11 =	vsel vm11, v10, v11  }
0x2d: {  	v8 =	vbroadcast v8, $0x7;
	v11 =	vsel vm10, v9, v11  }
0x2e: {  	v9 =	vsel vm10, v10, v9;
	vm14 =	vgt.f32 v61, v11  }
0x2f: {  	v10 =	vadd.f32 v14, v8;
	vm12 =	vgt.f32 v61, v9;
	v11 =	vsel vm14, v61, v11  }
0x30: {  	v11 =	vsel vm12, v9, v11  }
0x31: {  	v9 =	vsel vm12, v61, v9;
	vm13 =	vgt.f32 v10, v11  }
0x32: {  	vm9 =	vgt.f32 v10, v9;
	v11 =	vsel vm13, v10, v11  }
0x33: {  	v10 =	vsel vm9, v10, v9;
	v9 =	vsel vm9, v9, v11  }
0x34: {  	v9 =	vsub.f32 v9, v10;
	_ =	sdelay $0x1  }
0x35: {  	v9 =	vmul.f32 $1.442695020e+00, v9;
	_ =	sdelay $0x1  }
0x36: {  	(erf) = vpow2.f32 v9;
	_ =	sdelay $0x8  }
0x37: {  	v9 =	vpop (erf)  }
0x38: {  	v10 =	vadd.f32 $1.000000000e+00, v9;
	_ =	sdelay $0x1  }
0x39: {  	vm1 =	vmand vm2, vm1;
	(erf) = vrcp.f32 v10  }
0x3a: {  	v10 =	vsel vm1, $0x1, v0  }
0x3b: {  	v11 =	vsel vm0, $0x1, v0;
	v10 =	vsel vm4, $0x2, v10  }
0x3c: {  	v10 =	vsel vm3, v11, v10  }
0x3d: {  	v11 =	vsel vm3, $0x2, v11;
	v10 =	vsel vm6, $0x3, v10  }
0x3e: {  	v10 =	vsel vm5, v11, v10  }
0x3f: {  	v11 =	vsel vm5, $0x3, v11;
	v10 =	vsel vm8, $0x4, v10  }
0x40: {  	v10 =	vsel vm7, v11, v10  }
0x41: {  	v11 =	vsel vm7, $0x4, v11;
	v10 =	vsel vm11, $0x5, v10  }
0x42: {  	v10 =	vsel vm10, v11, v10;
	v62 =	vpop (erf)  }
0x43: {  	v11 =	vsel vm10, $0x5, v11;
	v10 =	vsel vm14, $0x6, v10;
	v9 =	vmul.f32 v62, v9  }
0x44: {  	s31 =	simm.s32 $0x80;
	s26 =	simm.s32 $0x100;
	s22 =	simm.s32 $0x10;
	v63 =	vsel vm12, $0x6, v11;
	v10 =	vsel vm12, v11, v10;
	[tilespmem:s13+$0x0] =	vst v62  }
0x45: {  	s20 =	simm.s32 $0x2090;
	s21 =	simm.s32 $0x2C80;
	s25 =	sand.u32 $0x70, s22;
	v11 =	vsel vm9, $0x7, v63;
	v10 =	vsel vm13, $0x7, v10;
	[tilespmem:s14+$0x0] =	vst v9  }
0x46: {  	s24 =	sand.u32 $0x1C00, s31;
	s19 =	simm.s32 $0x2890;
	s18 =	simm.s32 $0x2490;
	v9 =	vsel vm9, v63, v10;
	[tilespmem:s15+$0x0] =	vst v11  }
.LBB2_2:
0x47: {  	s25 =	sor.u32 s25, s24  }
0x48: {  	[tilespmem:s21+$0x0] =	vst v9;
	s21 =	sadd.s32 $0x10, s21;
	s24 =	smov.u32 s26;
	s23 =	sadd.s32 $0x80, s26  }
0x49: {  	p0 =	sne.s32 s26, $0x1F80;
	v9 =	vld [tilespmem:s25+$0x80]  }
0x4a: {  	v10 =	vld [tilespmem:s25+$0x0];
	_ =	sdelay $0x2  }
0x4b: {  	v11 =	vld [tilespmem:s25+$0x100]  }
0x4c: {  	v9 =	vadd.f32 v9, v5  }
0x4d: {  	v10 =	vadd.f32 v10, v4  }
0x4e: {  	vm0 =	vlt.f32 v9, $-Inf;
	vm1 =	vgt.f32 v9, $-Inf;
	v12 =	vld [tilespmem:s25+$0x180]  }
0x4f: {  	vm2 =	vgt.f32 v9, v10;
	vm0 =	vmor vm1, vm0  }
0x50: {  	vm1 =	vmneg vm2;
	v13 =	vnsel vm0, $0xFF800000, v9;
	v11 =	vadd.f32 v11, v1;
	v14 =	vld [tilespmem:s25+$0x200]  }
0x51: {  	vm0 =	vmand vm1, vm0;
	v13 =	vsel vm1, v13, v10;
	v9 =	vsel vm1, v10, v9  }
0x52: {  	v15 =	vsel vm2, $0x1, v0;
	v10 =	vsel vm0, $0x1, v0;
	vm0 =	vgt.f32 v11, v13  }
0x53: {  	vm1 =	vgt.f32 v11, v9;
	v13 =	vsel vm0, v11, v13;
	v12 =	vadd.f32 v12, v2  }
0x54: {  	v10 =	vsel vm0, $0x2, v10;
	v16 =	vsel vm1, $0x2, v15;
	v13 =	vsel vm1, v9, v13;
	v17 =	vld [tilespmem:s25+$0x280]  }
0x55: {  	v10 =	vsel vm1, v15, v10;
	v9 =	vsel vm1, v11, v9;
	vm0 =	vgt.f32 v12, v13  }
0x56: {  	vm1 =	vgt.f32 v12, v9;
	v11 =	vsel vm0, v12, v13;
	v13 =	vadd.f32 v14, v3  }
0x57: {  	v10 =	vsel vm0, $0x3, v10;
	v11 =	vsel vm1, v9, v11;
	v9 =	vsel vm1, v12, v9;
	v12 =	vld [tilespmem:s25+$0x300]  }
0x58: {  	v14 =	vsel vm1, $0x3, v16;
	v10 =	vsel vm1, v16, v10;
	vm0 =	vgt.f32 v13, v11  }
0x59: {  	vm1 =	vgt.f32 v13, v9;
	v11 =	vsel vm0, v13, v11;
	v15 =	vadd.f32 v17, v6;
	v16 =	vld [tilespmem:s25+$0x380]  }
0x5a: {  	v10 =	vsel vm0, $0x4, v10;
	v17 =	vsel vm1, $0x4, v14;
	v11 =	vsel vm1, v9, v11  }
0x5b: {  	v10 =	vsel vm1, v14, v10;
	v9 =	vsel vm1, v13, v9;
	vm0 =	vgt.f32 v15, v11  }
0x5c: {  	vm1 =	vgt.f32 v15, v9;
	v11 =	vsel vm0, v15, v11;
	v12 =	vadd.f32 v12, v7  }
0x5d: {  	v10 =	vsel vm0, $0x5, v10;
	v13 =	vsel vm1, $0x5, v17;
	v11 =	vsel vm1, v9, v11  }
0x5e: {  	v9 =	vsel vm1, v15, v9;
	vm0 =	vgt.f32 v12, v11;
	v14 =	vadd.f32 v16, v8  }
0x5f: {  	v10 =	vsel vm1, v17, v10;
	vm1 =	vgt.f32 v12, v9;
	v11 =	vsel vm0, v12, v11  }
0x60: {  	v15 =	vsel vm1, $0x6, v13;
	v11 =	vsel vm1, v9, v11;
	v9 =	vsel vm1, v12, v9  }
0x61: {  	v10 =	vsel vm0, $0x6, v10;
	vm0 =	vgt.f32 v14, v9;
	vm2 =	vgt.f32 v14, v11  }
0x62: {  	v10 =	vsel vm1, v13, v10;
	v11 =	vsel vm2, v14, v11;
	v12 =	vsel vm0, v14, v9  }
0x63: {  	v10 =	vsel vm2, $0x7, v10;
	v11 =	vsel vm0, v9, v11  }
0x64: {  	v9 =	vsel vm0, v15, v10;
	v10 =	vsub.f32 v11, v12;
	_ =	sdelay $0x1  }
0x65: {  	v10 =	vmul.f32 $1.442695020e+00, v10;
	_ =	sdelay $0x1  }
0x66: {  	(erf) = vpow2.f32 v10;
	_ =	sdelay $0x8  }
0x67: {  	v10 =	vpop (erf)  }
0x68: {  	v11 =	vadd.f32 $1.000000000e+00, v10;
	_ =	sdelay $0x1  }
0x69: {  	(erf) = vrcp.f32 v11;
	_ =	sdelay $0x8  }
.Ltmp0:
0x6a: {  	v11 =	vpop (erf);
	(pc) =	sbr.rel @p0 .LBB2_2-.Ltmp0, $4  }
0x6b: {  	[tilespmem:s20+$0x0] =	vst v11;
	v10 =	vmul.f32 v11, v10  }
0x6c: {  	s22 =	sadd.s32 $0x10, s22  }
0x6d: {  	s24 =	sand.u32 $0x1C00, s24;
	v11 =	vsel vm0, $0x7, v15;
	s20 =	sadd.s32 $0x10, s20;
	[tilespmem:s18+$0x0] =	vst v10;
	s18 =	sadd.s32 $0x10, s18  }
0x6e: {  	s26 =	smov.u32 s23;
	s25 =	sand.u32 $0x70, s22;
	[tilespmem:s19+$0x0] =	vst v11;
	s19 =	sadd.s32 $0x10, s19  }
0x6f: {  	s22 =	sor.u32 s25, s24;
	[tilespmem:s21+$0x0] =	vst v9  }
0x70: {  	v9 =	vld [tilespmem:s22+$0x80]  }
0x71: {  	v10 =	vld [tilespmem:s22+$0x0];
	_ =	sdelay $0x2  }
0x72: {  	v11 =	vld [tilespmem:s22+$0x100]  }
0x73: {  	v5 =	vadd.f32 v9, v5  }
0x74: {  	v4 =	vadd.f32 v10, v4  }
0x75: {  	v52 =	vld [tilespmem:s22+$0x180];
	vm1 =	vlt.f32 v5, $-Inf;
	vm2 =	vgt.f32 v5, $-Inf  }
0x76: {  	vm0 =	vgt.f32 v5, v4;
	vm1 =	vmor vm2, vm1  }
0x77: {  	v1 =	vadd.f32 v11, v1;
	vm2 =	vmneg vm0;
	v53 =	vnsel vm1, $0xFF800000, v5  }
0x78: {  	v54 =	vld [tilespmem:s22+$0x200];
	v10 =	vsel vm2, v53, v4  }
0x79: {  	v4 =	vsel vm2, v4, v5;
	vm4 =	vgt.f32 v1, v10  }
0x7a: {  	v2 =	vadd.f32 v52, v2;
	vm3 =	vgt.f32 v1, v4;
	v55 =	vsel vm4, v1, v10  }
0x7b: {  	v56 =	vld [tilespmem:s22+$0x280];
	v5 =	vsel vm3, v4, v55  }
0x7c: {  	v1 =	vsel vm3, v1, v4;
	vm6 =	vgt.f32 v2, v5  }
0x7d: {  	v3 =	vadd.f32 v54, v3;
	vm5 =	vgt.f32 v2, v1;
	v57 =	vsel vm6, v2, v5  }
0x7e: {  	v58 =	vld [tilespmem:s22+$0x300];
	v4 =	vsel vm5, v1, v57  }
0x7f: {  	v1 =	vsel vm5, v2, v1;
	vm8 =	vgt.f32 v3, v4  }
0x80: {  	v59 =	vadd.f32 v56, v6;
	vm7 =	vgt.f32 v3, v1;
	v2 =	vsel vm8, v3, v4  }
0x81: {  	v60 =	vld [tilespmem:s22+$0x380];
	v2 =	vsel vm7, v1, v2  }
0x82: {  	v1 =	vsel vm7, v3, v1;
	vm10 =	vgt.f32 v59, v2  }
0x83: {  	v3 =	vadd.f32 v58, v7;
	vm9 =	vgt.f32 v59, v1;
	v2 =	vsel vm10, v59, v2  }
0x84: {  	v2 =	vsel vm9, v1, v2  }
0x85: {  	v1 =	vsel vm9, v59, v1;
	vm13 =	vgt.f32 v3, v2  }
0x86: {  	v61 =	vadd.f32 v60, v8;
	vm12 =	vgt.f32 v3, v1;
	v2 =	vsel vm13, v3, v2  }
0x87: {  	v2 =	vsel vm12, v1, v2  }
0x88: {  	v1 =	vsel vm12, v3, v1;
	vm14 =	vgt.f32 v61, v2  }
0x89: {  	vm11 =	vgt.f32 v61, v1;
	v2 =	vsel vm14, v61, v2  }
0x8a: {  	v3 =	vsel vm11, v61, v1;
	v1 =	vsel vm11, v1, v2  }
0x8b: {  	v1 =	vsub.f32 v1, v3;
	_ =	sdelay $0x1  }
0x8c: {  	v1 =	vmul.f32 $1.442695020e+00, v1;
	_ =	sdelay $0x1  }
0x8d: {  	(erf) = vpow2.f32 v1;
	_ =	sdelay $0x8  }
0x8e: {  	v1 =	vpop (erf)  }
0x8f: {  	v2 =	vadd.f32 $1.000000000e+00, v1;
	_ =	sdelay $0x1  }
0x90: {  	vm1 =	vmand vm2, vm1;
	(erf) = vrcp.f32 v2  }
0x91: {  	v2 =	vsel vm1, $0x1, v0  }
0x92: {  	v3 =	vsel vm0, $0x1, v0;
	v2 =	vsel vm4, $0x2, v2  }
0x93: {  	v2 =	vsel vm3, v3, v2  }
0x94: {  	v3 =	vsel vm3, $0x2, v3;
	v2 =	vsel vm6, $0x3, v2  }
0x95: {  	v2 =	vsel vm5, v3, v2  }
0x96: {  	v3 =	vsel vm5, $0x3, v3;
	v2 =	vsel vm8, $0x4, v2  }
0x97: {  	v2 =	vsel vm7, v3, v2  }
0x98: {  	v3 =	vsel vm7, $0x4, v3;
	v2 =	vsel vm10, $0x5, v2  }
0x99: {  	v2 =	vsel vm9, v3, v2;
	v62 =	vpop (erf)  }
0x9a: {  	v3 =	vsel vm9, $0x5, v3;
	v2 =	vsel vm13, $0x6, v2;
	v1 =	vmul.f32 v62, v1  }
0x9b: {  	v63 =	vsel vm12, $0x6, v3;
	v2 =	vsel vm12, v3, v2;
	[tilespmem:s20+$0x0] =	vst v62  }
0x9c: {  	v3 =	vsel vm11, $0x7, v63;
	v2 =	vsel vm14, $0x7, v2;
	[tilespmem:s18+$0x0] =	vst v1  }
0x9d: {  	s31 =	sadd.s32 $0x10, s21;
	v1 =	vsel vm11, v63, v2;
	[tilespmem:s19+$0x0] =	vst v3  }
0x9e: {  	[tilespmem:s31+$0x0] =	vst v1  }
0x9f: {  	[hbm4b:s5+s3] =	stream.linear.scatter [tilespmem:s13], [sflag:$0x2], $0x400, $0x38;
	[tilespmem:$0x3080] =	vst v63  }
0xa0: {  	_ =	swait.ge [sflag:s11], $0x400  }
0xa1: {  	[sflag:s11] =	ssyncset.done $0x0  }
0xa2: {  	[sflag:s11] =	ssyncadd.s32 $0xFFFFFC00  }
0xa3: {  	[hbm4b:s6+s3] =	stream.linear.scatter [tilespmem:s14], [sflag:$0x2], $0x400, $0x38;
	[tilespmem:$0x3080] =	vst v63  }
0xa4: {  	_ =	swait.ge [sflag:s11], $0x400  }
0xa5: {  	[sflag:s11] =	ssyncset.done $0x0  }
0xa6: {  	[sflag:s11] =	ssyncadd.s32 $0xFFFFFC00  }
0xa7: {  	[hbm4b:s7+s3] =	stream.linear.scatter [tilespmem:s15], [sflag:$0x2], $0x400, $0x38;
	[tilespmem:$0x3080] =	vst v63  }
0xa8: {  	s17 =	sadd.s32 $0x1, s17;
	_ =	swait.ge [sflag:s11], $0x400  }
0xa9: {  	p0 =	sne.s32 s17, s9;
	[sflag:s11] =	ssyncset.done $0x0  }
.Ltmp1:
0xaa: {  	[sflag:s11] =	ssyncadd.s32 $0xFFFFFC00;
	(pc) =	sbr.rel @p0 .LBB2_1-.Ltmp1, $4  }
0xab: {  	[hbm4b:s8+s3] =	stream.linear.scatter [tilespmem:s16], [sflag:$0x2], $0x400, $0x38;
	[tilespmem:$0x3080] =	vst v63  }
0xac: {  	_ =	swait.ge [sflag:s11], $0x400  }
0xad: {  	[sflag:s11] =	ssyncset.done $0x0  }
0xae: {  	[sflag:s11] =	ssyncadd.s32 $0xFFFFFC00  }
0xaf: {  	_ =	sfence.sel $0x180000  }
0xb0: {  	[bflag:$0x0] =	sbarrier.arrive $0xFFFF  }
0xb1: {  	p0 =	sne.s32 s2, $0x0;
	_ =	strace $0x90000047  }
0xb2: {  	s0 =	sadd.s32 @!p0 $0x100000, s0;
	[bflag:$0x2] =	sbarrier.arrive $0xFFFF  }
0xb3: {  	[sflag:s0] =	ssyncadd.tile.s32 @!p0 $0x1;
	_ =	shalt  }
.Lfunc_end2:
_tile_overlayer_lowered:
.L_overlay_start_2:
0xb4: {  	(tag) =	ssettag $0x2  }
0xb5: {  	s0 =	rddreg [dreg:$0x0];
	s2 =	stileid.u32  }
0xb6: {  	s1 =	rddreg [dreg:$0x1];
	p0 =	sne.s32 s2, $0x0  }
0xb7: {  	s3 =	rddreg [dreg:$0x2];
	[bflag:$0x3] =	sbarrier.arrive $0xFFFF;
	s2 =	simm.s32 @!p0 $0x1C02  }
0xb8: {  	[timem:s3], [sflag:s2] =	dma.local @!p0 [hbm:s0], s1  }
0xb9: {  	s0 =	simm.s32 @!p0 $0x2  }
0xba: {  	_ =	swait.ge @!p0 [sflag:s0], s1  }
0xbb: {  	s1 =	ssub.s32 @!p0 $0x0, s1;
	[sflag:s0] =	ssyncset.done @!p0 $0x0  }
0xbc: {  	[sflag:s0] =	ssyncadd.s32 @!p0 s1  }
0xbd: {  	[bflag:$0x3] =	sbarrier.arrive $0xFFFF  }
0xbe: {  	_ =	shalt  }

</sc_bundles>
